<compile_context>
chip_gen: v7x
topology: tpu7x:2x2x1
jax: 0.10.2.dev20260603
libtpu: 0.0.44.dev20260713+nightly
codegen_flags: <defaults>
</compile_context>

<pallas_src>
import functools

import jax
import jax.numpy as jnp
from jax import lax
from jax.experimental import pallas as pl
from jax.experimental.pallas import tpu as pltpu
from jax.experimental.pallas import tpu_sc as plsc

NUM_MATRIX = 8
H = 1024
W = 128
B = 16384

_INFO = plsc.get_sparse_core_info()
NC = _INFO.num_cores
NS = _INFO.num_subcores
L = _INFO.num_lanes
NW = NC * NS
BPW = B // NW
CH = 128
NCH = BPW // CH

_mesh = plsc.VectorSubcoreMesh(core_axis_name="c", subcore_axis_name="s")


@functools.partial(
    pl.kernel,
    mesh=_mesh,
    out_type=jax.ShapeDtypeStruct((B, W), jnp.float32),
    scratch_types=[
        pltpu.VMEM((BPW,), jnp.int32),
        pltpu.VMEM((BPW,), jnp.int32),
        pltpu.VMEM((NCH, CH), jnp.int32),
        pltpu.VMEM((BPW, W), jnp.float32),
        pltpu.SemaphoreType.DMA,
        pltpu.SemaphoreType.DMA,
    ],
)
def _uvnet_gather(x1_hbm, x2_hbm, table_hbm, out_hbm,
                  x1_v, x2_v, idx_v, rows_v, gsem, wsem):
    wid = lax.axis_index("s") * NC + lax.axis_index("c")
    base = wid * BPW
    c1 = pltpu.async_copy(x1_hbm.at[pl.ds(base, BPW)], x1_v, wsem)
    c2 = pltpu.async_copy(x2_hbm.at[pl.ds(base, BPW)], x2_v, wsem)
    c1.wait()
    c2.wait()
    gathers = []
    for j in range(NCH):
        for t in range(CH // L):
            s = j * CH + t * L
            idx_v[j, pl.ds(t * L, L)] = x1_v[pl.ds(s, L)] * H + x2_v[pl.ds(s, L)]
        gathers.append(pltpu.async_copy(table_hbm.at[idx_v.at[j]],
                                        rows_v.at[pl.ds(j * CH, CH)], gsem))
    for c in gathers:
        c.wait()
    pltpu.sync_copy(rows_v, out_hbm.at[pl.ds(base, BPW)])


def kernel(x1, x2, matrices):
    table = matrices.reshape(NUM_MATRIX * H, W)
    out = _uvnet_gather(x1.astype(jnp.int32), x2.astype(jnp.int32), table)
    return out.reshape(1, B, 1, W)

# --- scband reference (transcript-rebuilt; emitter-appended) ---
"""Pipeline reference for scband-uvnet-84765474554342 (READ-ONLY COPY).

The authoritative reference and input builder live on the scoring server;
editing this copy changes nothing except your own understanding.
"""

import jax, jax.numpy as jnp
import numpy as np

NUM_MATRIX = 8
H = 1024
W = 128
B = 16384


def setup_inputs(seed: int = 0) -> dict:
    key = jax.random.key(seed)
    k1, k2, k3 = jax.random.split(key, 3)
    x1 = jax.random.randint(k1, (B,), 0, NUM_MATRIX, dtype=jnp.int32)
    x2 = jax.random.randint(k2, (B,), 0, H, dtype=jnp.int32)
    # learned parameter: matrices loaded from yaml in the torch module; materialized here
    matrices = jax.random.normal(k3, (1, NUM_MATRIX, H, W), dtype=jnp.float32)
    return {"x1": x1, "x2": x2, "matrices": matrices}


def reference(x1, x2, matrices):
    # index1 = x1.int().unsqueeze(1); index2 = x2.int().unsqueeze(1)
    index1 = x1.astype(jnp.int32)[:, None]  # [B, 1]
    index2 = x2.astype(jnp.int32)[:, None]  # [B, 1]
    # torch advanced indexing matrices[:, index1, index2] -> [1, B, 1, W]
    result = matrices[:, index1, index2]
    return result

if __name__ == "__main__":
    import jax
    _d = setup_inputs()
    print(jax.jit(kernel)(*tuple(_d.values())))

</pallas_src>

<mosaic_0001>
#map = affine_map<(d0, d1) -> (0)>
#map1 = affine_map<(d0, d1) -> (0, 0)>
module attributes {stable_mosaic.version = 14 : i64} {
  func.func @_uvnet_gather(%arg0: i32, %arg1: i32, %arg2: memref<16384xi32, #tpu.memory_space<hbm>>, %arg3: memref<16384xi32, #tpu.memory_space<hbm>>, %arg4: memref<8192x128xf32, #tpu.memory_space<hbm>>, %arg5: memref<16384x128xf32, #tpu.memory_space<hbm>>, %arg6: memref<512xi32, #tpu.memory_space<vmem>>, %arg7: memref<512xi32, #tpu.memory_space<vmem>>, %arg8: memref<4x128xi32, #tpu.memory_space<vmem>>, %arg9: memref<512x128xf32, #tpu.memory_space<vmem>>, %arg10: memref<!tpu.dma_semaphore, #tpu.memory_space<semaphore_mem>>, %arg11: memref<!tpu.dma_semaphore, #tpu.memory_space<semaphore_mem>>) attributes {dimension_semantics = [#tpu.dimension_semantics<core_parallel>, #tpu.dimension_semantics<subcore_parallel>], iteration_bounds = array<i64: 2, 16>, scalar_prefetch = 0 : i64, scratch_operands = 6 : i64, tpu.core_type = #tpu.core_type<sc_vector_subcore>, window_params = [{transform_indices = #map}, {transform_indices = #map}, {transform_indices = #map1}, {transform_indices = #map1}]} {
    %mul3A = arith.constant 2 : i32
    %mul3A_0 = arith.muli %arg1, %mul3A : i32
    %add3A = arith.addi %mul3A_0, %arg0 : i32
    %mul3A_1 = arith.constant 512 : i32
    %mul3A_2 = arith.muli %add3A, %mul3A_1 : i32
    %dma_start3A = tpu.memref_slice %arg2[%mul3A_2] : memref<16384xi32, #tpu.memory_space<hbm>> -> memref<512xi32, #tpu.memory_space<hbm>>
    %dma_start3A_3 = tpu.memref_slice %arg2[%mul3A_2] : memref<16384xi32, #tpu.memory_space<hbm>> -> memref<512xi32, #tpu.memory_space<hbm>>
    tpu.enqueue_dma source(%dma_start3A_3 : memref<512xi32, #tpu.memory_space<hbm>>) target(%arg6 : memref<512xi32, #tpu.memory_space<vmem>>) target_semaphore(%arg11 : memref<!tpu.dma_semaphore, #tpu.memory_space<semaphore_mem>>)
    %dma_start3A_4 = tpu.memref_slice %arg3[%mul3A_2] : memref<16384xi32, #tpu.memory_space<hbm>> -> memref<512xi32, #tpu.memory_space<hbm>>
    %dma_start3A_5 = tpu.memref_slice %arg3[%mul3A_2] : memref<16384xi32, #tpu.memory_space<hbm>> -> memref<512xi32, #tpu.memory_space<hbm>>
    tpu.enqueue_dma source(%dma_start3A_5 : memref<512xi32, #tpu.memory_space<hbm>>) target(%arg7 : memref<512xi32, #tpu.memory_space<vmem>>) target_semaphore(%arg11 : memref<!tpu.dma_semaphore, #tpu.memory_space<semaphore_mem>>)
    %dma_wait3A = tpu.memref_slice %arg2[%mul3A_2] : memref<16384xi32, #tpu.memory_space<hbm>> -> memref<512xi32, #tpu.memory_space<hbm>>
    %dma_wait3A_6 = tpu.memref_slice %arg2[%mul3A_2] : memref<16384xi32, #tpu.memory_space<hbm>> -> memref<512xi32, #tpu.memory_space<hbm>>
    tpu.wait_dma2 semaphore(%arg11 : memref<!tpu.dma_semaphore, #tpu.memory_space<semaphore_mem>>) src(%dma_wait3A_6 : memref<512xi32, #tpu.memory_space<hbm>>) dst(%arg6 : memref<512xi32, #tpu.memory_space<vmem>>)
    %dma_wait3A_7 = tpu.memref_slice %arg3[%mul3A_2] : memref<16384xi32, #tpu.memory_space<hbm>> -> memref<512xi32, #tpu.memory_space<hbm>>
    %dma_wait3A_8 = tpu.memref_slice %arg3[%mul3A_2] : memref<16384xi32, #tpu.memory_space<hbm>> -> memref<512xi32, #tpu.memory_space<hbm>>
    tpu.wait_dma2 semaphore(%arg11 : memref<!tpu.dma_semaphore, #tpu.memory_space<semaphore_mem>>) src(%dma_wait3A_8 : memref<512xi32, #tpu.memory_space<hbm>>) dst(%arg7 : memref<512xi32, #tpu.memory_space<vmem>>)
    %get3A = arith.constant 0 : index
    %get3A_9 = tpu.vector_load %arg6[%get3A] {strides = array<i32>} : memref<512xi32, #tpu.memory_space<vmem>>, vector<16xi32>,
    %get3A_10 = vector.shape_cast %get3A_9 : vector<16xi32> to vector<16xi32>
    %mul3A_11 = arith.constant 1024 : i32
    %mul3A_12 = vector.broadcast %mul3A_11 : i32 to vector<16xi32>
    %mul3A_13 = arith.muli %get3A_10, %mul3A_12 : vector<16xi32>
    %get3A_14 = arith.constant 0 : index
    %get3A_15 = tpu.vector_load %arg7[%get3A_14] {strides = array<i32>} : memref<512xi32, #tpu.memory_space<vmem>>, vector<16xi32>,
    %get3A_16 = vector.shape_cast %get3A_15 : vector<16xi32> to vector<16xi32>
    %add3A_17 = arith.addi %mul3A_13, %get3A_16 : vector<16xi32>
    %swap3A = arith.constant 0 : i32
    %swap3A_18 = arith.index_cast %swap3A : i32 to index
    %swap3A_19 = arith.constant 0 : index
    %swap3A_20 = tpu.vector_load %arg8[%swap3A_18, %swap3A_19] {strides = array<i32>} : memref<4x128xi32, #tpu.memory_space<vmem>>, vector<1x16xi32>,
    %swap3A_21 = vector.shape_cast %swap3A_20 : vector<1x16xi32> to vector<16xi32>
    %swap3A_22 = vector.shape_cast %add3A_17 : vector<16xi32> to vector<1x16xi32>
    tpu.vector_store %arg8[%swap3A_18, %swap3A_19], %swap3A_22 {strides = array<i32>} : memref<4x128xi32, #tpu.memory_space<vmem>>, vector<1x16xi32>,
    %get3A_23 = arith.constant 16 : index
    %get3A_24 = tpu.vector_load %arg6[%get3A_23] {strides = array<i32>} : memref<512xi32, #tpu.memory_space<vmem>>, vector<16xi32>,
    %get3A_25 = vector.shape_cast %get3A_24 : vector<16xi32> to vector<16xi32>
    %mul3A_26 = arith.constant 1024 : i32
    %mul3A_27 = vector.broadcast %mul3A_26 : i32 to vector<16xi32>
    %mul3A_28 = arith.muli %get3A_25, %mul3A_27 : vector<16xi32>
    %get3A_29 = arith.constant 16 : index
    %get3A_30 = tpu.vector_load %arg7[%get3A_29] {strides = array<i32>} : memref<512xi32, #tpu.memory_space<vmem>>, vector<16xi32>,
    %get3A_31 = vector.shape_cast %get3A_30 : vector<16xi32> to vector<16xi32>
    %add3A_32 = arith.addi %mul3A_28, %get3A_31 : vector<16xi32>
    %swap3A_33 = arith.constant 0 : i32
    %swap3A_34 = arith.index_cast %swap3A_33 : i32 to index
    %swap3A_35 = arith.constant 16 : index
    %swap3A_36 = tpu.vector_load %arg8[%swap3A_34, %swap3A_35] {strides = array<i32>} : memref<4x128xi32, #tpu.memory_space<vmem>>, vector<1x16xi32>,
    %swap3A_37 = vector.shape_cast %swap3A_36 : vector<1x16xi32> to vector<16xi32>
    %swap3A_38 = vector.shape_cast %add3A_32 : vector<16xi32> to vector<1x16xi32>
    tpu.vector_store %arg8[%swap3A_34, %swap3A_35], %swap3A_38 {strides = array<i32>} : memref<4x128xi32, #tpu.memory_space<vmem>>, vector<1x16xi32>,
    %get3A_39 = arith.constant 32 : index
    %get3A_40 = tpu.vector_load %arg6[%get3A_39] {strides = array<i32>} : memref<512xi32, #tpu.memory_space<vmem>>, vector<16xi32>,
    %get3A_41 = vector.shape_cast %get3A_40 : vector<16xi32> to vector<16xi32>
    %mul3A_42 = arith.constant 1024 : i32
    %mul3A_43 = vector.broadcast %mul3A_42 : i32 to vector<16xi32>
    %mul3A_44 = arith.muli %get3A_41, %mul3A_43 : vector<16xi32>
    %get3A_45 = arith.constant 32 : index
    %get3A_46 = tpu.vector_load %arg7[%get3A_45] {strides = array<i32>} : memref<512xi32, #tpu.memory_space<vmem>>, vector<16xi32>,
    %get3A_47 = vector.shape_cast %get3A_46 : vector<16xi32> to vector<16xi32>
    %add3A_48 = arith.addi %mul3A_44, %get3A_47 : vector<16xi32>
    %swap3A_49 = arith.constant 0 : i32
    %swap3A_50 = arith.index_cast %swap3A_49 : i32 to index
    %swap3A_51 = arith.constant 32 : index
    %swap3A_52 = tpu.vector_load %arg8[%swap3A_50, %swap3A_51] {strides = array<i32>} : memref<4x128xi32, #tpu.memory_space<vmem>>, vector<1x16xi32>,
    %swap3A_53 = vector.shape_cast %swap3A_52 : vector<1x16xi32> to vector<16xi32>
    %swap3A_54 = vector.shape_cast %add3A_48 : vector<16xi32> to vector<1x16xi32>
    tpu.vector_store %arg8[%swap3A_50, %swap3A_51], %swap3A_54 {strides = array<i32>} : memref<4x128xi32, #tpu.memory_space<vmem>>, vector<1x16xi32>,
    %get3A_55 = arith.constant 48 : index
    %get3A_56 = tpu.vector_load %arg6[%get3A_55] {strides = array<i32>} : memref<512xi32, #tpu.memory_space<vmem>>, vector<16xi32>,
    %get3A_57 = vector.shape_cast %get3A_56 : vector<16xi32> to vector<16xi32>
    %mul3A_58 = arith.constant 1024 : i32
    %mul3A_59 = vector.broadcast %mul3A_58 : i32 to vector<16xi32>
    %mul3A_60 = arith.muli %get3A_57, %mul3A_59 : vector<16xi32>
    %get3A_61 = arith.constant 48 : index
    %get3A_62 = tpu.vector_load %arg7[%get3A_61] {strides = array<i32>} : memref<512xi32, #tpu.memory_space<vmem>>, vector<16xi32>,
    %get3A_63 = vector.shape_cast %get3A_62 : vector<16xi32> to vector<16xi32>
    %add3A_64 = arith.addi %mul3A_60, %get3A_63 : vector<16xi32>
    %swap3A_65 = arith.constant 0 : i32
    %swap3A_66 = arith.index_cast %swap3A_65 : i32 to index
    %swap3A_67 = arith.constant 48 : index
    %swap3A_68 = tpu.vector_load %arg8[%swap3A_66, %swap3A_67] {strides = array<i32>} : memref<4x128xi32, #tpu.memory_space<vmem>>, vector<1x16xi32>,
    %swap3A_69 = vector.shape_cast %swap3A_68 : vector<1x16xi32> to vector<16xi32>
    %swap3A_70 = vector.shape_cast %add3A_64 : vector<16xi32> to vector<1x16xi32>
    tpu.vector_store %arg8[%swap3A_66, %swap3A_67], %swap3A_70 {strides = array<i32>} : memref<4x128xi32, #tpu.memory_space<vmem>>, vector<1x16xi32>,
    %get3A_71 = arith.constant 64 : index
    %get3A_72 = tpu.vector_load %arg6[%get3A_71] {strides = array<i32>} : memref<512xi32, #tpu.memory_space<vmem>>, vector<16xi32>,
    %get3A_73 = vector.shape_cast %get3A_72 : vector<16xi32> to vector<16xi32>
    %mul3A_74 = arith.constant 1024 : i32
    %mul3A_75 = vector.broadcast %mul3A_74 : i32 to vector<16xi32>
    %mul3A_76 = arith.muli %get3A_73, %mul3A_75 : vector<16xi32>
    %get3A_77 = arith.constant 64 : index
    %get3A_78 = tpu.vector_load %arg7[%get3A_77] {strides = array<i32>} : memref<512xi32, #tpu.memory_space<vmem>>, vector<16xi32>,
    %get3A_79 = vector.shape_cast %get3A_78 : vector<16xi32> to vector<16xi32>
    %add3A_80 = arith.addi %mul3A_76, %get3A_79 : vector<16xi32>
    %swap3A_81 = arith.constant 0 : i32
    %swap3A_82 = arith.index_cast %swap3A_81 : i32 to index
    %swap3A_83 = arith.constant 64 : index
    %swap3A_84 = tpu.vector_load %arg8[%swap3A_82, %swap3A_83] {strides = array<i32>} : memref<4x128xi32, #tpu.memory_space<vmem>>, vector<1x16xi32>,
    %swap3A_85 = vector.shape_cast %swap3A_84 : vector<1x16xi32> to vector<16xi32>
    %swap3A_86 = vector.shape_cast %add3A_80 : vector<16xi32> to vector<1x16xi32>
    tpu.vector_store %arg8[%swap3A_82, %swap3A_83], %swap3A_86 {strides = array<i32>} : memref<4x128xi32, #tpu.memory_space<vmem>>, vector<1x16xi32>,
    %get3A_87 = arith.constant 80 : index
    %get3A_88 = tpu.vector_load %arg6[%get3A_87] {strides = array<i32>} : memref<512xi32, #tpu.memory_space<vmem>>, vector<16xi32>,
    %get3A_89 = vector.shape_cast %get3A_88 : vector<16xi32> to vector<16xi32>
    %mul3A_90 = arith.constant 1024 : i32
    %mul3A_91 = vector.broadcast %mul3A_90 : i32 to vector<16xi32>
    %mul3A_92 = arith.muli %get3A_89, %mul3A_91 : vector<16xi32>
    %get3A_93 = arith.constant 80 : index
    %get3A_94 = tpu.vector_load %arg7[%get3A_93] {strides = array<i32>} : memref<512xi32, #tpu.memory_space<vmem>>, vector<16xi32>,
    %get3A_95 = vector.shape_cast %get3A_94 : vector<16xi32> to vector<16xi32>
    %add3A_96 = arith.addi %mul3A_92, %get3A_95 : vector<16xi32>
    %swap3A_97 = arith.constant 0 : i32
    %swap3A_98 = arith.index_cast %swap3A_97 : i32 to index
    %swap3A_99 = arith.constant 80 : index
    %swap3A_100 = tpu.vector_load %arg8[%swap3A_98, %swap3A_99] {strides = array<i32>} : memref<4x128xi32, #tpu.memory_space<vmem>>, vector<1x16xi32>,
    %swap3A_101 = vector.shape_cast %swap3A_100 : vector<1x16xi32> to vector<16xi32>
    %swap3A_102 = vector.shape_cast %add3A_96 : vector<16xi32> to vector<1x16xi32>
    tpu.vector_store %arg8[%swap3A_98, %swap3A_99], %swap3A_102 {strides = array<i32>} : memref<4x128xi32, #tpu.memory_space<vmem>>, vector<1x16xi32>,
    %get3A_103 = arith.constant 96 : index
    %get3A_104 = tpu.vector_load %arg6[%get3A_103] {strides = array<i32>} : memref<512xi32, #tpu.memory_space<vmem>>, vector<16xi32>,
    %get3A_105 = vector.shape_cast %get3A_104 : vector<16xi32> to vector<16xi32>
    %mul3A_106 = arith.constant 1024 : i32
    %mul3A_107 = vector.broadcast %mul3A_106 : i32 to vector<16xi32>
    %mul3A_108 = arith.muli %get3A_105, %mul3A_107 : vector<16xi32>
    %get3A_109 = arith.constant 96 : index
    %get3A_110 = tpu.vector_load %arg7[%get3A_109] {strides = array<i32>} : memref<512xi32, #tpu.memory_space<vmem>>, vector<16xi32>,
    %get3A_111 = vector.shape_cast %get3A_110 : vector<16xi32> to vector<16xi32>
    %add3A_112 = arith.addi %mul3A_108, %get3A_111 : vector<16xi32>
    %swap3A_113 = arith.constant 0 : i32
    %swap3A_114 = arith.index_cast %swap3A_113 : i32 to index
    %swap3A_115 = arith.constant 96 : index
    %swap3A_116 = tpu.vector_load %arg8[%swap3A_114, %swap3A_115] {strides = array<i32>} : memref<4x128xi32, #tpu.memory_space<vmem>>, vector<1x16xi32>,
    %swap3A_117 = vector.shape_cast %swap3A_116 : vector<1x16xi32> to vector<16xi32>
    %swap3A_118 = vector.shape_cast %add3A_112 : vector<16xi32> to vector<1x16xi32>
    tpu.vector_store %arg8[%swap3A_114, %swap3A_115], %swap3A_118 {strides = array<i32>} : memref<4x128xi32, #tpu.memory_space<vmem>>, vector<1x16xi32>,
    %get3A_119 = arith.constant 112 : index
    %get3A_120 = tpu.vector_load %arg6[%get3A_119] {strides = array<i32>} : memref<512xi32, #tpu.memory_space<vmem>>, vector<16xi32>,
    %get3A_121 = vector.shape_cast %get3A_120 : vector<16xi32> to vector<16xi32>
    %mul3A_122 = arith.constant 1024 : i32
    %mul3A_123 = vector.broadcast %mul3A_122 : i32 to vector<16xi32>
    %mul3A_124 = arith.muli %get3A_121, %mul3A_123 : vector<16xi32>
    %get3A_125 = arith.constant 112 : index
    %get3A_126 = tpu.vector_load %arg7[%get3A_125] {strides = array<i32>} : memref<512xi32, #tpu.memory_space<vmem>>, vector<16xi32>,
    %get3A_127 = vector.shape_cast %get3A_126 : vector<16xi32> to vector<16xi32>
    %add3A_128 = arith.addi %mul3A_124, %get3A_127 : vector<16xi32>
    %swap3A_129 = arith.constant 0 : i32
    %swap3A_130 = arith.index_cast %swap3A_129 : i32 to index
    %swap3A_131 = arith.constant 112 : index
    %swap3A_132 = tpu.vector_load %arg8[%swap3A_130, %swap3A_131] {strides = array<i32>} : memref<4x128xi32, #tpu.memory_space<vmem>>, vector<1x16xi32>,
    %swap3A_133 = vector.shape_cast %swap3A_132 : vector<1x16xi32> to vector<16xi32>
    %swap3A_134 = vector.shape_cast %add3A_128 : vector<16xi32> to vector<1x16xi32>
    tpu.vector_store %arg8[%swap3A_130, %swap3A_131], %swap3A_134 {strides = array<i32>} : memref<4x128xi32, #tpu.memory_space<vmem>>, vector<1x16xi32>,
    %dma_start3A_135 = arith.constant 0 : i32
    %dma_start3A_136 = arith.constant 0 : i32
    %dma_start3A_137 = arith.constant 0 : i32
    %dma_start3A_138 = tpu.memref_slice %arg9[%dma_start3A_136, %dma_start3A_137] : memref<512x128xf32, #tpu.memory_space<vmem>> -> memref<128x128xf32, #tpu.memory_space<vmem>>
    %dma_start3A_139 = arith.constant 0 : i32
    %dma_start3A_140 = tpu.memref_slice %arg8[%dma_start3A_135, %dma_start3A_139] : memref<4x128xi32, #tpu.memory_space<vmem>> -> memref<1x128xi32, #tpu.memory_space<vmem>>
    %dma_start3A_141 = tpu.memref_squeeze %dma_start3A_140 : memref<1x128xi32, #tpu.memory_space<vmem>> -> memref<128xi32, #tpu.memory_space<vmem>>
    %dma_start3A_142 = arith.constant 0 : i32
    %dma_start3A_143 = arith.constant 0 : i32
    %dma_start3A_144 = tpu.memref_slice %arg4[%dma_start3A_142, %dma_start3A_143] : memref<8192x128xf32, #tpu.memory_space<hbm>> -> memref<8192x128xf32, #tpu.memory_space<hbm>>
    tpu.enqueue_indirect_dma source(%dma_start3A_144 : memref<8192x128xf32, #tpu.memory_space<hbm>>) target(%dma_start3A_138 : memref<128x128xf32, #tpu.memory_space<vmem>>) offsets(%dma_start3A_141 : memref<128xi32, #tpu.memory_space<vmem>>) semaphore(%arg10 : memref<!tpu.dma_semaphore, #tpu.memory_space<semaphore_mem>>)
    %get3A_145 = arith.constant 128 : index
    %get3A_146 = tpu.vector_load %arg6[%get3A_145] {strides = array<i32>} : memref<512xi32, #tpu.memory_space<vmem>>, vector<16xi32>,
    %get3A_147 = vector.shape_cast %get3A_146 : vector<16xi32> to vector<16xi32>
    %mul3A_148 = arith.constant 1024 : i32
    %mul3A_149 = vector.broadcast %mul3A_148 : i32 to vector<16xi32>
    %mul3A_150 = arith.muli %get3A_147, %mul3A_149 : vector<16xi32>
    %get3A_151 = arith.constant 128 : index
    %get3A_152 = tpu.vector_load %arg7[%get3A_151] {strides = array<i32>} : memref<512xi32, #tpu.memory_space<vmem>>, vector<16xi32>,
    %get3A_153 = vector.shape_cast %get3A_152 : vector<16xi32> to vector<16xi32>
    %add3A_154 = arith.addi %mul3A_150, %get3A_153 : vector<16xi32>
    %swap3A_155 = arith.constant 1 : i32
    %swap3A_156 = arith.index_cast %swap3A_155 : i32 to index
    %swap3A_157 = arith.constant 0 : index
    %swap3A_158 = tpu.vector_load %arg8[%swap3A_156, %swap3A_157] {strides = array<i32>} : memref<4x128xi32, #tpu.memory_space<vmem>>, vector<1x16xi32>,
    %swap3A_159 = vector.shape_cast %swap3A_158 : vector<1x16xi32> to vector<16xi32>
    %swap3A_160 = vector.shape_cast %add3A_154 : vector<16xi32> to vector<1x16xi32>
    tpu.vector_store %arg8[%swap3A_156, %swap3A_157], %swap3A_160 {strides = array<i32>} : memref<4x128xi32, #tpu.memory_space<vmem>>, vector<1x16xi32>,
    %get3A_161 = arith.constant 144 : index
    %get3A_162 = tpu.vector_load %arg6[%get3A_161] {strides = array<i32>} : memref<512xi32, #tpu.memory_space<vmem>>, vector<16xi32>,
    %get3A_163 = vector.shape_cast %get3A_162 : vector<16xi32> to vector<16xi32>
    %mul3A_164 = arith.constant 1024 : i32
    %mul3A_165 = vector.broadcast %mul3A_164 : i32 to vector<16xi32>
    %mul3A_166 = arith.muli %get3A_163, %mul3A_165 : vector<16xi32>
    %get3A_167 = arith.constant 144 : index
    %get3A_168 = tpu.vector_load %arg7[%get3A_167] {strides = array<i32>} : memref<512xi32, #tpu.memory_space<vmem>>, vector<16xi32>,
    %get3A_169 = vector.shape_cast %get3A_168 : vector<16xi32> to vector<16xi32>
    %add3A_170 = arith.addi %mul3A_166, %get3A_169 : vector<16xi32>
    %swap3A_171 = arith.constant 1 : i32
    %swap3A_172 = arith.index_cast %swap3A_171 : i32 to index
    %swap3A_173 = arith.constant 16 : index
    %swap3A_174 = tpu.vector_load %arg8[%swap3A_172, %swap3A_173] {strides = array<i32>} : memref<4x128xi32, #tpu.memory_space<vmem>>, vector<1x16xi32>,
    %swap3A_175 = vector.shape_cast %swap3A_174 : vector<1x16xi32> to vector<16xi32>
    %swap3A_176 = vector.shape_cast %add3A_170 : vector<16xi32> to vector<1x16xi32>
    tpu.vector_store %arg8[%swap3A_172, %swap3A_173], %swap3A_176 {strides = array<i32>} : memref<4x128xi32, #tpu.memory_space<vmem>>, vector<1x16xi32>,
    %get3A_177 = arith.constant 160 : index
    %get3A_178 = tpu.vector_load %arg6[%get3A_177] {strides = array<i32>} : memref<512xi32, #tpu.memory_space<vmem>>, vector<16xi32>,
    %get3A_179 = vector.shape_cast %get3A_178 : vector<16xi32> to vector<16xi32>
    %mul3A_180 = arith.constant 1024 : i32
    %mul3A_181 = vector.broadcast %mul3A_180 : i32 to vector<16xi32>
    %mul3A_182 = arith.muli %get3A_179, %mul3A_181 : vector<16xi32>
    %get3A_183 = arith.constant 160 : index
    %get3A_184 = tpu.vector_load %arg7[%get3A_183] {strides = array<i32>} : memref<512xi32, #tpu.memory_space<vmem>>, vector<16xi32>,
    %get3A_185 = vector.shape_cast %get3A_184 : vector<16xi32> to vector<16xi32>
    %add3A_186 = arith.addi %mul3A_182, %get3A_185 : vector<16xi32>
    %swap3A_187 = arith.constant 1 : i32
    %swap3A_188 = arith.index_cast %swap3A_187 : i32 to index
    %swap3A_189 = arith.constant 32 : index
    %swap3A_190 = tpu.vector_load %arg8[%swap3A_188, %swap3A_189] {strides = array<i32>} : memref<4x128xi32, #tpu.memory_space<vmem>>, vector<1x16xi32>,
    %swap3A_191 = vector.shape_cast %swap3A_190 : vector<1x16xi32> to vector<16xi32>
    %swap3A_192 = vector.shape_cast %add3A_186 : vector<16xi32> to vector<1x16xi32>
    tpu.vector_store %arg8[%swap3A_188, %swap3A_189], %swap3A_192 {strides = array<i32>} : memref<4x128xi32, #tpu.memory_space<vmem>>, vector<1x16xi32>,
    %get3A_193 = arith.constant 176 : index
    %get3A_194 = tpu.vector_load %arg6[%get3A_193] {strides = array<i32>} : memref<512xi32, #tpu.memory_space<vmem>>, vector<16xi32>,
    %get3A_195 = vector.shape_cast %get3A_194 : vector<16xi32> to vector<16xi32>
    %mul3A_196 = arith.constant 1024 : i32
    %mul3A_197 = vector.broadcast %mul3A_196 : i32 to vector<16xi32>
    %mul3A_198 = arith.muli %get3A_195, %mul3A_197 : vector<16xi32>
    %get3A_199 = arith.constant 176 : index
    %get3A_200 = tpu.vector_load %arg7[%get3A_199] {strides = array<i32>} : memref<512xi32, #tpu.memory_space<vmem>>, vector<16xi32>,
    %get3A_201 = vector.shape_cast %get3A_200 : vector<16xi32> to vector<16xi32>
    %add3A_202 = arith.addi %mul3A_198, %get3A_201 : vector<16xi32>
    %swap3A_203 = arith.constant 1 : i32
    %swap3A_204 = arith.index_cast %swap3A_203 : i32 to index
    %swap3A_205 = arith.constant 48 : index
    %swap3A_206 = tpu.vector_load %arg8[%swap3A_204, %swap3A_205] {strides = array<i32>} : memref<4x128xi32, #tpu.memory_space<vmem>>, vector<1x16xi32>,
    %swap3A_207 = vector.shape_cast %swap3A_206 : vector<1x16xi32> to vector<16xi32>
    %swap3A_208 = vector.shape_cast %add3A_202 : vector<16xi32> to vector<1x16xi32>
    tpu.vector_store %arg8[%swap3A_204, %swap3A_205], %swap3A_208 {strides = array<i32>} : memref<4x128xi32, #tpu.memory_space<vmem>>, vector<1x16xi32>,
    %get3A_209 = arith.constant 192 : index
    %get3A_210 = tpu.vector_load %arg6[%get3A_209] {strides = array<i32>} : memref<512xi32, #tpu.memory_space<vmem>>, vector<16xi32>,
    %get3A_211 = vector.shape_cast %get3A_210 : vector<16xi32> to vector<16xi32>
    %mul3A_212 = arith.constant 1024 : i32
    %mul3A_213 = vector.broadcast %mul3A_212 : i32 to vector<16xi32>
    %mul3A_214 = arith.muli %get3A_211, %mul3A_213 : vector<16xi32>
    %get3A_215 = arith.constant 192 : index
    %get3A_216 = tpu.vector_load %arg7[%get3A_215] {strides = array<i32>} : memref<512xi32, #tpu.memory_space<vmem>>, vector<16xi32>,
    %get3A_217 = vector.shape_cast %get3A_216 : vector<16xi32> to vector<16xi32>
    %add3A_218 = arith.addi %mul3A_214, %get3A_217 : vector<16xi32>
    %swap3A_219 = arith.constant 1 : i32
    %swap3A_220 = arith.index_cast %swap3A_219 : i32 to index
    %swap3A_221 = arith.constant 64 : index
    %swap3A_222 = tpu.vector_load %arg8[%swap3A_220, %swap3A_221] {strides = array<i32>} : memref<4x128xi32, #tpu.memory_space<vmem>>, vector<1x16xi32>,
    %swap3A_223 = vector.shape_cast %swap3A_222 : vector<1x16xi32> to vector<16xi32>
    %swap3A_224 = vector.shape_cast %add3A_218 : vector<16xi32> to vector<1x16xi32>
    tpu.vector_store %arg8[%swap3A_220, %swap3A_221], %swap3A_224 {strides = array<i32>} : memref<4x128xi32, #tpu.memory_space<vmem>>, vector<1x16xi32>,
    %get3A_225 = arith.constant 208 : index
    %get3A_226 = tpu.vector_load %arg6[%get3A_225] {strides = array<i32>} : memref<512xi32, #tpu.memory_space<vmem>>, vector<16xi32>,
    %get3A_227 = vector.shape_cast %get3A_226 : vector<16xi32> to vector<16xi32>
    %mul3A_228 = arith.constant 1024 : i32
    %mul3A_229 = vector.broadcast %mul3A_228 : i32 to vector<16xi32>
    %mul3A_230 = arith.muli %get3A_227, %mul3A_229 : vector<16xi32>
    %get3A_231 = arith.constant 208 : index
    %get3A_232 = tpu.vector_load %arg7[%get3A_231] {strides = array<i32>} : memref<512xi32, #tpu.memory_space<vmem>>, vector<16xi32>,
    %get3A_233 = vector.shape_cast %get3A_232 : vector<16xi32> to vector<16xi32>
    %add3A_234 = arith.addi %mul3A_230, %get3A_233 : vector<16xi32>
    %swap3A_235 = arith.constant 1 : i32
    %swap3A_236 = arith.index_cast %swap3A_235 : i32 to index
    %swap3A_237 = arith.constant 80 : index
    %swap3A_238 = tpu.vector_load %arg8[%swap3A_236, %swap3A_237] {strides = array<i32>} : memref<4x128xi32, #tpu.memory_space<vmem>>, vector<1x16xi32>,
    %swap3A_239 = vector.shape_cast %swap3A_238 : vector<1x16xi32> to vector<16xi32>
    %swap3A_240 = vector.shape_cast %add3A_234 : vector<16xi32> to vector<1x16xi32>
    tpu.vector_store %arg8[%swap3A_236, %swap3A_237], %swap3A_240 {strides = array<i32>} : memref<4x128xi32, #tpu.memory_space<vmem>>, vector<1x16xi32>,
    %get3A_241 = arith.constant 224 : index
    %get3A_242 = tpu.vector_load %arg6[%get3A_241] {strides = array<i32>} : memref<512xi32, #tpu.memory_space<vmem>>, vector<16xi32>,
    %get3A_243 = vector.shape_cast %get3A_242 : vector<16xi32> to vector<16xi32>
    %mul3A_244 = arith.constant 1024 : i32
    %mul3A_245 = vector.broadcast %mul3A_244 : i32 to vector<16xi32>
    %mul3A_246 = arith.muli %get3A_243, %mul3A_245 : vector<16xi32>
    %get3A_247 = arith.constant 224 : index
    %get3A_248 = tpu.vector_load %arg7[%get3A_247] {strides = array<i32>} : memref<512xi32, #tpu.memory_space<vmem>>, vector<16xi32>,
    %get3A_249 = vector.shape_cast %get3A_248 : vector<16xi32> to vector<16xi32>
    %add3A_250 = arith.addi %mul3A_246, %get3A_249 : vector<16xi32>
    %swap3A_251 = arith.constant 1 : i32
    %swap3A_252 = arith.index_cast %swap3A_251 : i32 to index
    %swap3A_253 = arith.constant 96 : index
    %swap3A_254 = tpu.vector_load %arg8[%swap3A_252, %swap3A_253] {strides = array<i32>} : memref<4x128xi32, #tpu.memory_space<vmem>>, vector<1x16xi32>,
    %swap3A_255 = vector.shape_cast %swap3A_254 : vector<1x16xi32> to vector<16xi32>
    %swap3A_256 = vector.shape_cast %add3A_250 : vector<16xi32> to vector<1x16xi32>
    tpu.vector_store %arg8[%swap3A_252, %swap3A_253], %swap3A_256 {strides = array<i32>} : memref<4x128xi32, #tpu.memory_space<vmem>>, vector<1x16xi32>,
    %get3A_257 = arith.constant 240 : index
    %get3A_258 = tpu.vector_load %arg6[%get3A_257] {strides = array<i32>} : memref<512xi32, #tpu.memory_space<vmem>>, vector<16xi32>,
    %get3A_259 = vector.shape_cast %get3A_258 : vector<16xi32> to vector<16xi32>
    %mul3A_260 = arith.constant 1024 : i32
    %mul3A_261 = vector.broadcast %mul3A_260 : i32 to vector<16xi32>
    %mul3A_262 = arith.muli %get3A_259, %mul3A_261 : vector<16xi32>
    %get3A_263 = arith.constant 240 : index
    %get3A_264 = tpu.vector_load %arg7[%get3A_263] {strides = array<i32>} : memref<512xi32, #tpu.memory_space<vmem>>, vector<16xi32>,
    %get3A_265 = vector.shape_cast %get3A_264 : vector<16xi32> to vector<16xi32>
    %add3A_266 = arith.addi %mul3A_262, %get3A_265 : vector<16xi32>
    %swap3A_267 = arith.constant 1 : i32
    %swap3A_268 = arith.index_cast %swap3A_267 : i32 to index
    %swap3A_269 = arith.constant 112 : index
    %swap3A_270 = tpu.vector_load %arg8[%swap3A_268, %swap3A_269] {strides = array<i32>} : memref<4x128xi32, #tpu.memory_space<vmem>>, vector<1x16xi32>,
    %swap3A_271 = vector.shape_cast %swap3A_270 : vector<1x16xi32> to vector<16xi32>
    %swap3A_272 = vector.shape_cast %add3A_266 : vector<16xi32> to vector<1x16xi32>
    tpu.vector_store %arg8[%swap3A_268, %swap3A_269], %swap3A_272 {strides = array<i32>} : memref<4x128xi32, #tpu.memory_space<vmem>>, vector<1x16xi32>,
    %dma_start3A_273 = arith.constant 1 : i32
    %dma_start3A_274 = arith.constant 128 : i32
    %dma_start3A_275 = arith.constant 0 : i32
    %dma_start3A_276 = tpu.memref_slice %arg9[%dma_start3A_274, %dma_start3A_275] : memref<512x128xf32, #tpu.memory_space<vmem>> -> memref<128x128xf32, #tpu.memory_space<vmem>>
    %dma_start3A_277 = arith.constant 0 : i32
    %dma_start3A_278 = tpu.memref_slice %arg8[%dma_start3A_273, %dma_start3A_277] : memref<4x128xi32, #tpu.memory_space<vmem>> -> memref<1x128xi32, #tpu.memory_space<vmem>>
    %dma_start3A_279 = tpu.memref_squeeze %dma_start3A_278 : memref<1x128xi32, #tpu.memory_space<vmem>> -> memref<128xi32, #tpu.memory_space<vmem>>
    %dma_start3A_280 = arith.constant 0 : i32
    %dma_start3A_281 = arith.constant 0 : i32
    %dma_start3A_282 = tpu.memref_slice %arg4[%dma_start3A_280, %dma_start3A_281] : memref<8192x128xf32, #tpu.memory_space<hbm>> -> memref<8192x128xf32, #tpu.memory_space<hbm>>
    tpu.enqueue_indirect_dma source(%dma_start3A_282 : memref<8192x128xf32, #tpu.memory_space<hbm>>) target(%dma_start3A_276 : memref<128x128xf32, #tpu.memory_space<vmem>>) offsets(%dma_start3A_279 : memref<128xi32, #tpu.memory_space<vmem>>) semaphore(%arg10 : memref<!tpu.dma_semaphore, #tpu.memory_space<semaphore_mem>>)
    %get3A_283 = arith.constant 256 : index
    %get3A_284 = tpu.vector_load %arg6[%get3A_283] {strides = array<i32>} : memref<512xi32, #tpu.memory_space<vmem>>, vector<16xi32>,
    %get3A_285 = vector.shape_cast %get3A_284 : vector<16xi32> to vector<16xi32>
    %mul3A_286 = arith.constant 1024 : i32
    %mul3A_287 = vector.broadcast %mul3A_286 : i32 to vector<16xi32>
    %mul3A_288 = arith.muli %get3A_285, %mul3A_287 : vector<16xi32>
    %get3A_289 = arith.constant 256 : index
    %get3A_290 = tpu.vector_load %arg7[%get3A_289] {strides = array<i32>} : memref<512xi32, #tpu.memory_space<vmem>>, vector<16xi32>,
    %get3A_291 = vector.shape_cast %get3A_290 : vector<16xi32> to vector<16xi32>
    %add3A_292 = arith.addi %mul3A_288, %get3A_291 : vector<16xi32>
    %swap3A_293 = arith.constant 2 : i32
    %swap3A_294 = arith.index_cast %swap3A_293 : i32 to index
    %swap3A_295 = arith.constant 0 : index
    %swap3A_296 = tpu.vector_load %arg8[%swap3A_294, %swap3A_295] {strides = array<i32>} : memref<4x128xi32, #tpu.memory_space<vmem>>, vector<1x16xi32>,
    %swap3A_297 = vector.shape_cast %swap3A_296 : vector<1x16xi32> to vector<16xi32>
    %swap3A_298 = vector.shape_cast %add3A_292 : vector<16xi32> to vector<1x16xi32>
    tpu.vector_store %arg8[%swap3A_294, %swap3A_295], %swap3A_298 {strides = array<i32>} : memref<4x128xi32, #tpu.memory_space<vmem>>, vector<1x16xi32>,
    %get3A_299 = arith.constant 272 : index
    %get3A_300 = tpu.vector_load %arg6[%get3A_299] {strides = array<i32>} : memref<512xi32, #tpu.memory_space<vmem>>, vector<16xi32>,
    %get3A_301 = vector.shape_cast %get3A_300 : vector<16xi32> to vector<16xi32>
    %mul3A_302 = arith.constant 1024 : i32
    %mul3A_303 = vector.broadcast %mul3A_302 : i32 to vector<16xi32>
    %mul3A_304 = arith.muli %get3A_301, %mul3A_303 : vector<16xi32>
    %get3A_305 = arith.constant 272 : index
    %get3A_306 = tpu.vector_load %arg7[%get3A_305] {strides = array<i32>} : memref<512xi32, #tpu.memory_space<vmem>>, vector<16xi32>,
    %get3A_307 = vector.shape_cast %get3A_306 : vector<16xi32> to vector<16xi32>
    %add3A_308 = arith.addi %mul3A_304, %get3A_307 : vector<16xi32>
    %swap3A_309 = arith.constant 2 : i32
    %swap3A_310 = arith.index_cast %swap3A_309 : i32 to index
    %swap3A_311 = arith.constant 16 : index
    %swap3A_312 = tpu.vector_load %arg8[%swap3A_310, %swap3A_311] {strides = array<i32>} : memref<4x128xi32, #tpu.memory_space<vmem>>, vector<1x16xi32>,
    %swap3A_313 = vector.shape_cast %swap3A_312 : vector<1x16xi32> to vector<16xi32>
    %swap3A_314 = vector.shape_cast %add3A_308 : vector<16xi32> to vector<1x16xi32>
    tpu.vector_store %arg8[%swap3A_310, %swap3A_311], %swap3A_314 {strides = array<i32>} : memref<4x128xi32, #tpu.memory_space<vmem>>, vector<1x16xi32>,
    %get3A_315 = arith.constant 288 : index
    %get3A_316 = tpu.vector_load %arg6[%get3A_315] {strides = array<i32>} : memref<512xi32, #tpu.memory_space<vmem>>, vector<16xi32>,
    %get3A_317 = vector.shape_cast %get3A_316 : vector<16xi32> to vector<16xi32>
    %mul3A_318 = arith.constant 1024 : i32
    %mul3A_319 = vector.broadcast %mul3A_318 : i32 to vector<16xi32>
    %mul3A_320 = arith.muli %get3A_317, %mul3A_319 : vector<16xi32>
    %get3A_321 = arith.constant 288 : index
    %get3A_322 = tpu.vector_load %arg7[%get3A_321] {strides = array<i32>} : memref<512xi32, #tpu.memory_space<vmem>>, vector<16xi32>,
    %get3A_323 = vector.shape_cast %get3A_322 : vector<16xi32> to vector<16xi32>
    %add3A_324 = arith.addi %mul3A_320, %get3A_323 : vector<16xi32>
    %swap3A_325 = arith.constant 2 : i32
    %swap3A_326 = arith.index_cast %swap3A_325 : i32 to index
    %swap3A_327 = arith.constant 32 : index
    %swap3A_328 = tpu.vector_load %arg8[%swap3A_326, %swap3A_327] {strides = array<i32>} : memref<4x128xi32, #tpu.memory_space<vmem>>, vector<1x16xi32>,
    %swap3A_329 = vector.shape_cast %swap3A_328 : vector<1x16xi32> to vector<16xi32>
    %swap3A_330 = vector.shape_cast %add3A_324 : vector<16xi32> to vector<1x16xi32>
    tpu.vector_store %arg8[%swap3A_326, %swap3A_327], %swap3A_330 {strides = array<i32>} : memref<4x128xi32, #tpu.memory_space<vmem>>, vector<1x16xi32>,
    %get3A_331 = arith.constant 304 : index
    %get3A_332 = tpu.vector_load %arg6[%get3A_331] {strides = array<i32>} : memref<512xi32, #tpu.memory_space<vmem>>, vector<16xi32>,
    %get3A_333 = vector.shape_cast %get3A_332 : vector<16xi32> to vector<16xi32>
    %mul3A_334 = arith.constant 1024 : i32
    %mul3A_335 = vector.broadcast %mul3A_334 : i32 to vector<16xi32>
    %mul3A_336 = arith.muli %get3A_333, %mul3A_335 : vector<16xi32>
    %get3A_337 = arith.constant 304 : index
    %get3A_338 = tpu.vector_load %arg7[%get3A_337] {strides = array<i32>} : memref<512xi32, #tpu.memory_space<vmem>>, vector<16xi32>,
    %get3A_339 = vector.shape_cast %get3A_338 : vector<16xi32> to vector<16xi32>
    %add3A_340 = arith.addi %mul3A_336, %get3A_339 : vector<16xi32>
    %swap3A_341 = arith.constant 2 : i32
    %swap3A_342 = arith.index_cast %swap3A_341 : i32 to index
    %swap3A_343 = arith.constant 48 : index
    %swap3A_344 = tpu.vector_load %arg8[%swap3A_342, %swap3A_343] {strides = array<i32>} : memref<4x128xi32, #tpu.memory_space<vmem>>, vector<1x16xi32>,
    %swap3A_345 = vector.shape_cast %swap3A_344 : vector<1x16xi32> to vector<16xi32>
    %swap3A_346 = vector.shape_cast %add3A_340 : vector<16xi32> to vector<1x16xi32>
    tpu.vector_store %arg8[%swap3A_342, %swap3A_343], %swap3A_346 {strides = array<i32>} : memref<4x128xi32, #tpu.memory_space<vmem>>, vector<1x16xi32>,
    %get3A_347 = arith.constant 320 : index
    %get3A_348 = tpu.vector_load %arg6[%get3A_347] {strides = array<i32>} : memref<512xi32, #tpu.memory_space<vmem>>, vector<16xi32>,
    %get3A_349 = vector.shape_cast %get3A_348 : vector<16xi32> to vector<16xi32>
    %mul3A_350 = arith.constant 1024 : i32
    %mul3A_351 = vector.broadcast %mul3A_350 : i32 to vector<16xi32>
    %mul3A_352 = arith.muli %get3A_349, %mul3A_351 : vector<16xi32>
    %get3A_353 = arith.constant 320 : index
    %get3A_354 = tpu.vector_load %arg7[%get3A_353] {strides = array<i32>} : memref<512xi32, #tpu.memory_space<vmem>>, vector<16xi32>,
    %get3A_355 = vector.shape_cast %get3A_354 : vector<16xi32> to vector<16xi32>
    %add3A_356 = arith.addi %mul3A_352, %get3A_355 : vector<16xi32>
    %swap3A_357 = arith.constant 2 : i32
    %swap3A_358 = arith.index_cast %swap3A_357 : i32 to index
    %swap3A_359 = arith.constant 64 : index
    %swap3A_360 = tpu.vector_load %arg8[%swap3A_358, %swap3A_359] {strides = array<i32>} : memref<4x128xi32, #tpu.memory_space<vmem>>, vector<1x16xi32>,
    %swap3A_361 = vector.shape_cast %swap3A_360 : vector<1x16xi32> to vector<16xi32>
    %swap3A_362 = vector.shape_cast %add3A_356 : vector<16xi32> to vector<1x16xi32>
    tpu.vector_store %arg8[%swap3A_358, %swap3A_359], %swap3A_362 {strides = array<i32>} : memref<4x128xi32, #tpu.memory_space<vmem>>, vector<1x16xi32>,
    %get3A_363 = arith.constant 336 : index
    %get3A_364 = tpu.vector_load %arg6[%get3A_363] {strides = array<i32>} : memref<512xi32, #tpu.memory_space<vmem>>, vector<16xi32>,
    %get3A_365 = vector.shape_cast %get3A_364 : vector<16xi32> to vector<16xi32>
    %mul3A_366 = arith.constant 1024 : i32
    %mul3A_367 = vector.broadcast %mul3A_366 : i32 to vector<16xi32>
    %mul3A_368 = arith.muli %get3A_365, %mul3A_367 : vector<16xi32>
    %get3A_369 = arith.constant 336 : index
    %get3A_370 = tpu.vector_load %arg7[%get3A_369] {strides = array<i32>} : memref<512xi32, #tpu.memory_space<vmem>>, vector<16xi32>,
    %get3A_371 = vector.shape_cast %get3A_370 : vector<16xi32> to vector<16xi32>
    %add3A_372 = arith.addi %mul3A_368, %get3A_371 : vector<16xi32>
    %swap3A_373 = arith.constant 2 : i32
    %swap3A_374 = arith.index_cast %swap3A_373 : i32 to index
    %swap3A_375 = arith.constant 80 : index
    %swap3A_376 = tpu.vector_load %arg8[%swap3A_374, %swap3A_375] {strides = array<i32>} : memref<4x128xi32, #tpu.memory_space<vmem>>, vector<1x16xi32>,
    %swap3A_377 = vector.shape_cast %swap3A_376 : vector<1x16xi32> to vector<16xi32>
    %swap3A_378 = vector.shape_cast %add3A_372 : vector<16xi32> to vector<1x16xi32>
    tpu.vector_store %arg8[%swap3A_374, %swap3A_375], %swap3A_378 {strides = array<i32>} : memref<4x128xi32, #tpu.memory_space<vmem>>, vector<1x16xi32>,
    %get3A_379 = arith.constant 352 : index
    %get3A_380 = tpu.vector_load %arg6[%get3A_379] {strides = array<i32>} : memref<512xi32, #tpu.memory_space<vmem>>, vector<16xi32>,
    %get3A_381 = vector.shape_cast %get3A_380 : vector<16xi32> to vector<16xi32>
    %mul3A_382 = arith.constant 1024 : i32
    %mul3A_383 = vector.broadcast %mul3A_382 : i32 to vector<16xi32>
    %mul3A_384 = arith.muli %get3A_381, %mul3A_383 : vector<16xi32>
    %get3A_385 = arith.constant 352 : index
    %get3A_386 = tpu.vector_load %arg7[%get3A_385] {strides = array<i32>} : memref<512xi32, #tpu.memory_space<vmem>>, vector<16xi32>,
    %get3A_387 = vector.shape_cast %get3A_386 : vector<16xi32> to vector<16xi32>
    %add3A_388 = arith.addi %mul3A_384, %get3A_387 : vector<16xi32>
    %swap3A_389 = arith.constant 2 : i32
    %swap3A_390 = arith.index_cast %swap3A_389 : i32 to index
    %swap3A_391 = arith.constant 96 : index
    %swap3A_392 = tpu.vector_load %arg8[%swap3A_390, %swap3A_391] {strides = array<i32>} : memref<4x128xi32, #tpu.memory_space<vmem>>, vector<1x16xi32>,
    %swap3A_393 = vector.shape_cast %swap3A_392 : vector<1x16xi32> to vector<16xi32>
    %swap3A_394 = vector.shape_cast %add3A_388 : vector<16xi32> to vector<1x16xi32>
    tpu.vector_store %arg8[%swap3A_390, %swap3A_391], %swap3A_394 {strides = array<i32>} : memref<4x128xi32, #tpu.memory_space<vmem>>, vector<1x16xi32>,
    %get3A_395 = arith.constant 368 : index
    %get3A_396 = tpu.vector_load %arg6[%get3A_395] {strides = array<i32>} : memref<512xi32, #tpu.memory_space<vmem>>, vector<16xi32>,
    %get3A_397 = vector.shape_cast %get3A_396 : vector<16xi32> to vector<16xi32>
    %mul3A_398 = arith.constant 1024 : i32
    %mul3A_399 = vector.broadcast %mul3A_398 : i32 to vector<16xi32>
    %mul3A_400 = arith.muli %get3A_397, %mul3A_399 : vector<16xi32>
    %get3A_401 = arith.constant 368 : index
    %get3A_402 = tpu.vector_load %arg7[%get3A_401] {strides = array<i32>} : memref<512xi32, #tpu.memory_space<vmem>>, vector<16xi32>,
    %get3A_403 = vector.shape_cast %get3A_402 : vector<16xi32> to vector<16xi32>
    %add3A_404 = arith.addi %mul3A_400, %get3A_403 : vector<16xi32>
    %swap3A_405 = arith.constant 2 : i32
    %swap3A_406 = arith.index_cast %swap3A_405 : i32 to index
    %swap3A_407 = arith.constant 112 : index
    %swap3A_408 = tpu.vector_load %arg8[%swap3A_406, %swap3A_407] {strides = array<i32>} : memref<4x128xi32, #tpu.memory_space<vmem>>, vector<1x16xi32>,
    %swap3A_409 = vector.shape_cast %swap3A_408 : vector<1x16xi32> to vector<16xi32>
    %swap3A_410 = vector.shape_cast %add3A_404 : vector<16xi32> to vector<1x16xi32>
    tpu.vector_store %arg8[%swap3A_406, %swap3A_407], %swap3A_410 {strides = array<i32>} : memref<4x128xi32, #tpu.memory_space<vmem>>, vector<1x16xi32>,
    %dma_start3A_411 = arith.constant 2 : i32
    %dma_start3A_412 = arith.constant 256 : i32
    %dma_start3A_413 = arith.constant 0 : i32
    %dma_start3A_414 = tpu.memref_slice %arg9[%dma_start3A_412, %dma_start3A_413] : memref<512x128xf32, #tpu.memory_space<vmem>> -> memref<128x128xf32, #tpu.memory_space<vmem>>
    %dma_start3A_415 = arith.constant 0 : i32
    %dma_start3A_416 = tpu.memref_slice %arg8[%dma_start3A_411, %dma_start3A_415] : memref<4x128xi32, #tpu.memory_space<vmem>> -> memref<1x128xi32, #tpu.memory_space<vmem>>
    %dma_start3A_417 = tpu.memref_squeeze %dma_start3A_416 : memref<1x128xi32, #tpu.memory_space<vmem>> -> memref<128xi32, #tpu.memory_space<vmem>>
    %dma_start3A_418 = arith.constant 0 : i32
    %dma_start3A_419 = arith.constant 0 : i32
    %dma_start3A_420 = tpu.memref_slice %arg4[%dma_start3A_418, %dma_start3A_419] : memref<8192x128xf32, #tpu.memory_space<hbm>> -> memref<8192x128xf32, #tpu.memory_space<hbm>>
    tpu.enqueue_indirect_dma source(%dma_start3A_420 : memref<8192x128xf32, #tpu.memory_space<hbm>>) target(%dma_start3A_414 : memref<128x128xf32, #tpu.memory_space<vmem>>) offsets(%dma_start3A_417 : memref<128xi32, #tpu.memory_space<vmem>>) semaphore(%arg10 : memref<!tpu.dma_semaphore, #tpu.memory_space<semaphore_mem>>)
    %get3A_421 = arith.constant 384 : index
    %get3A_422 = tpu.vector_load %arg6[%get3A_421] {strides = array<i32>} : memref<512xi32, #tpu.memory_space<vmem>>, vector<16xi32>,
    %get3A_423 = vector.shape_cast %get3A_422 : vector<16xi32> to vector<16xi32>
    %mul3A_424 = arith.constant 1024 : i32
    %mul3A_425 = vector.broadcast %mul3A_424 : i32 to vector<16xi32>
    %mul3A_426 = arith.muli %get3A_423, %mul3A_425 : vector<16xi32>
    %get3A_427 = arith.constant 384 : index
    %get3A_428 = tpu.vector_load %arg7[%get3A_427] {strides = array<i32>} : memref<512xi32, #tpu.memory_space<vmem>>, vector<16xi32>,
    %get3A_429 = vector.shape_cast %get3A_428 : vector<16xi32> to vector<16xi32>
    %add3A_430 = arith.addi %mul3A_426, %get3A_429 : vector<16xi32>
    %swap3A_431 = arith.constant 3 : i32
    %swap3A_432 = arith.index_cast %swap3A_431 : i32 to index
    %swap3A_433 = arith.constant 0 : index
    %swap3A_434 = tpu.vector_load %arg8[%swap3A_432, %swap3A_433] {strides = array<i32>} : memref<4x128xi32, #tpu.memory_space<vmem>>, vector<1x16xi32>,
    %swap3A_435 = vector.shape_cast %swap3A_434 : vector<1x16xi32> to vector<16xi32>
    %swap3A_436 = vector.shape_cast %add3A_430 : vector<16xi32> to vector<1x16xi32>
    tpu.vector_store %arg8[%swap3A_432, %swap3A_433], %swap3A_436 {strides = array<i32>} : memref<4x128xi32, #tpu.memory_space<vmem>>, vector<1x16xi32>,
    %get3A_437 = arith.constant 400 : index
    %get3A_438 = tpu.vector_load %arg6[%get3A_437] {strides = array<i32>} : memref<512xi32, #tpu.memory_space<vmem>>, vector<16xi32>,
    %get3A_439 = vector.shape_cast %get3A_438 : vector<16xi32> to vector<16xi32>
    %mul3A_440 = arith.constant 1024 : i32
    %mul3A_441 = vector.broadcast %mul3A_440 : i32 to vector<16xi32>
    %mul3A_442 = arith.muli %get3A_439, %mul3A_441 : vector<16xi32>
    %get3A_443 = arith.constant 400 : index
    %get3A_444 = tpu.vector_load %arg7[%get3A_443] {strides = array<i32>} : memref<512xi32, #tpu.memory_space<vmem>>, vector<16xi32>,
    %get3A_445 = vector.shape_cast %get3A_444 : vector<16xi32> to vector<16xi32>
    %add3A_446 = arith.addi %mul3A_442, %get3A_445 : vector<16xi32>
    %swap3A_447 = arith.constant 3 : i32
    %swap3A_448 = arith.index_cast %swap3A_447 : i32 to index
    %swap3A_449 = arith.constant 16 : index
    %swap3A_450 = tpu.vector_load %arg8[%swap3A_448, %swap3A_449] {strides = array<i32>} : memref<4x128xi32, #tpu.memory_space<vmem>>, vector<1x16xi32>,
    %swap3A_451 = vector.shape_cast %swap3A_450 : vector<1x16xi32> to vector<16xi32>
    %swap3A_452 = vector.shape_cast %add3A_446 : vector<16xi32> to vector<1x16xi32>
    tpu.vector_store %arg8[%swap3A_448, %swap3A_449], %swap3A_452 {strides = array<i32>} : memref<4x128xi32, #tpu.memory_space<vmem>>, vector<1x16xi32>,
    %get3A_453 = arith.constant 416 : index
    %get3A_454 = tpu.vector_load %arg6[%get3A_453] {strides = array<i32>} : memref<512xi32, #tpu.memory_space<vmem>>, vector<16xi32>,
    %get3A_455 = vector.shape_cast %get3A_454 : vector<16xi32> to vector<16xi32>
    %mul3A_456 = arith.constant 1024 : i32
    %mul3A_457 = vector.broadcast %mul3A_456 : i32 to vector<16xi32>
    %mul3A_458 = arith.muli %get3A_455, %mul3A_457 : vector<16xi32>
    %get3A_459 = arith.constant 416 : index
    %get3A_460 = tpu.vector_load %arg7[%get3A_459] {strides = array<i32>} : memref<512xi32, #tpu.memory_space<vmem>>, vector<16xi32>,
    %get3A_461 = vector.shape_cast %get3A_460 : vector<16xi32> to vector<16xi32>
    %add3A_462 = arith.addi %mul3A_458, %get3A_461 : vector<16xi32>
    %swap3A_463 = arith.constant 3 : i32
    %swap3A_464 = arith.index_cast %swap3A_463 : i32 to index
    %swap3A_465 = arith.constant 32 : index
    %swap3A_466 = tpu.vector_load %arg8[%swap3A_464, %swap3A_465] {strides = array<i32>} : memref<4x128xi32, #tpu.memory_space<vmem>>, vector<1x16xi32>,
    %swap3A_467 = vector.shape_cast %swap3A_466 : vector<1x16xi32> to vector<16xi32>
    %swap3A_468 = vector.shape_cast %add3A_462 : vector<16xi32> to vector<1x16xi32>
    tpu.vector_store %arg8[%swap3A_464, %swap3A_465], %swap3A_468 {strides = array<i32>} : memref<4x128xi32, #tpu.memory_space<vmem>>, vector<1x16xi32>,
    %get3A_469 = arith.constant 432 : index
    %get3A_470 = tpu.vector_load %arg6[%get3A_469] {strides = array<i32>} : memref<512xi32, #tpu.memory_space<vmem>>, vector<16xi32>,
    %get3A_471 = vector.shape_cast %get3A_470 : vector<16xi32> to vector<16xi32>
    %mul3A_472 = arith.constant 1024 : i32
    %mul3A_473 = vector.broadcast %mul3A_472 : i32 to vector<16xi32>
    %mul3A_474 = arith.muli %get3A_471, %mul3A_473 : vector<16xi32>
    %get3A_475 = arith.constant 432 : index
    %get3A_476 = tpu.vector_load %arg7[%get3A_475] {strides = array<i32>} : memref<512xi32, #tpu.memory_space<vmem>>, vector<16xi32>,
    %get3A_477 = vector.shape_cast %get3A_476 : vector<16xi32> to vector<16xi32>
    %add3A_478 = arith.addi %mul3A_474, %get3A_477 : vector<16xi32>
    %swap3A_479 = arith.constant 3 : i32
    %swap3A_480 = arith.index_cast %swap3A_479 : i32 to index
    %swap3A_481 = arith.constant 48 : index
    %swap3A_482 = tpu.vector_load %arg8[%swap3A_480, %swap3A_481] {strides = array<i32>} : memref<4x128xi32, #tpu.memory_space<vmem>>, vector<1x16xi32>,
    %swap3A_483 = vector.shape_cast %swap3A_482 : vector<1x16xi32> to vector<16xi32>
    %swap3A_484 = vector.shape_cast %add3A_478 : vector<16xi32> to vector<1x16xi32>
    tpu.vector_store %arg8[%swap3A_480, %swap3A_481], %swap3A_484 {strides = array<i32>} : memref<4x128xi32, #tpu.memory_space<vmem>>, vector<1x16xi32>,
    %get3A_485 = arith.constant 448 : index
    %get3A_486 = tpu.vector_load %arg6[%get3A_485] {strides = array<i32>} : memref<512xi32, #tpu.memory_space<vmem>>, vector<16xi32>,
    %get3A_487 = vector.shape_cast %get3A_486 : vector<16xi32> to vector<16xi32>
    %mul3A_488 = arith.constant 1024 : i32
    %mul3A_489 = vector.broadcast %mul3A_488 : i32 to vector<16xi32>
    %mul3A_490 = arith.muli %get3A_487, %mul3A_489 : vector<16xi32>
    %get3A_491 = arith.constant 448 : index
    %get3A_492 = tpu.vector_load %arg7[%get3A_491] {strides = array<i32>} : memref<512xi32, #tpu.memory_space<vmem>>, vector<16xi32>,
    %get3A_493 = vector.shape_cast %get3A_492 : vector<16xi32> to vector<16xi32>
    %add3A_494 = arith.addi %mul3A_490, %get3A_493 : vector<16xi32>
    %swap3A_495 = arith.constant 3 : i32
    %swap3A_496 = arith.index_cast %swap3A_495 : i32 to index
    %swap3A_497 = arith.constant 64 : index
    %swap3A_498 = tpu.vector_load %arg8[%swap3A_496, %swap3A_497] {strides = array<i32>} : memref<4x128xi32, #tpu.memory_space<vmem>>, vector<1x16xi32>,
    %swap3A_499 = vector.shape_cast %swap3A_498 : vector<1x16xi32> to vector<16xi32>
    %swap3A_500 = vector.shape_cast %add3A_494 : vector<16xi32> to vector<1x16xi32>
    tpu.vector_store %arg8[%swap3A_496, %swap3A_497], %swap3A_500 {strides = array<i32>} : memref<4x128xi32, #tpu.memory_space<vmem>>, vector<1x16xi32>,
    %get3A_501 = arith.constant 464 : index
    %get3A_502 = tpu.vector_load %arg6[%get3A_501] {strides = array<i32>} : memref<512xi32, #tpu.memory_space<vmem>>, vector<16xi32>,
    %get3A_503 = vector.shape_cast %get3A_502 : vector<16xi32> to vector<16xi32>
    %mul3A_504 = arith.constant 1024 : i32
    %mul3A_505 = vector.broadcast %mul3A_504 : i32 to vector<16xi32>
    %mul3A_506 = arith.muli %get3A_503, %mul3A_505 : vector<16xi32>
    %get3A_507 = arith.constant 464 : index
    %get3A_508 = tpu.vector_load %arg7[%get3A_507] {strides = array<i32>} : memref<512xi32, #tpu.memory_space<vmem>>, vector<16xi32>,
    %get3A_509 = vector.shape_cast %get3A_508 : vector<16xi32> to vector<16xi32>
    %add3A_510 = arith.addi %mul3A_506, %get3A_509 : vector<16xi32>
    %swap3A_511 = arith.constant 3 : i32
    %swap3A_512 = arith.index_cast %swap3A_511 : i32 to index
    %swap3A_513 = arith.constant 80 : index
    %swap3A_514 = tpu.vector_load %arg8[%swap3A_512, %swap3A_513] {strides = array<i32>} : memref<4x128xi32, #tpu.memory_space<vmem>>, vector<1x16xi32>,
    %swap3A_515 = vector.shape_cast %swap3A_514 : vector<1x16xi32> to vector<16xi32>
    %swap3A_516 = vector.shape_cast %add3A_510 : vector<16xi32> to vector<1x16xi32>
    tpu.vector_store %arg8[%swap3A_512, %swap3A_513], %swap3A_516 {strides = array<i32>} : memref<4x128xi32, #tpu.memory_space<vmem>>, vector<1x16xi32>,
    %get3A_517 = arith.constant 480 : index
    %get3A_518 = tpu.vector_load %arg6[%get3A_517] {strides = array<i32>} : memref<512xi32, #tpu.memory_space<vmem>>, vector<16xi32>,
    %get3A_519 = vector.shape_cast %get3A_518 : vector<16xi32> to vector<16xi32>
    %mul3A_520 = arith.constant 1024 : i32
    %mul3A_521 = vector.broadcast %mul3A_520 : i32 to vector<16xi32>
    %mul3A_522 = arith.muli %get3A_519, %mul3A_521 : vector<16xi32>
    %get3A_523 = arith.constant 480 : index
    %get3A_524 = tpu.vector_load %arg7[%get3A_523] {strides = array<i32>} : memref<512xi32, #tpu.memory_space<vmem>>, vector<16xi32>,
    %get3A_525 = vector.shape_cast %get3A_524 : vector<16xi32> to vector<16xi32>
    %add3A_526 = arith.addi %mul3A_522, %get3A_525 : vector<16xi32>
    %swap3A_527 = arith.constant 3 : i32
    %swap3A_528 = arith.index_cast %swap3A_527 : i32 to index
    %swap3A_529 = arith.constant 96 : index
    %swap3A_530 = tpu.vector_load %arg8[%swap3A_528, %swap3A_529] {strides = array<i32>} : memref<4x128xi32, #tpu.memory_space<vmem>>, vector<1x16xi32>,
    %swap3A_531 = vector.shape_cast %swap3A_530 : vector<1x16xi32> to vector<16xi32>
    %swap3A_532 = vector.shape_cast %add3A_526 : vector<16xi32> to vector<1x16xi32>
    tpu.vector_store %arg8[%swap3A_528, %swap3A_529], %swap3A_532 {strides = array<i32>} : memref<4x128xi32, #tpu.memory_space<vmem>>, vector<1x16xi32>,
    %get3A_533 = arith.constant 496 : index
    %get3A_534 = tpu.vector_load %arg6[%get3A_533] {strides = array<i32>} : memref<512xi32, #tpu.memory_space<vmem>>, vector<16xi32>,
    %get3A_535 = vector.shape_cast %get3A_534 : vector<16xi32> to vector<16xi32>
    %mul3A_536 = arith.constant 1024 : i32
    %mul3A_537 = vector.broadcast %mul3A_536 : i32 to vector<16xi32>
    %mul3A_538 = arith.muli %get3A_535, %mul3A_537 : vector<16xi32>
    %get3A_539 = arith.constant 496 : index
    %get3A_540 = tpu.vector_load %arg7[%get3A_539] {strides = array<i32>} : memref<512xi32, #tpu.memory_space<vmem>>, vector<16xi32>,
    %get3A_541 = vector.shape_cast %get3A_540 : vector<16xi32> to vector<16xi32>
    %add3A_542 = arith.addi %mul3A_538, %get3A_541 : vector<16xi32>
    %swap3A_543 = arith.constant 3 : i32
    %swap3A_544 = arith.index_cast %swap3A_543 : i32 to index
    %swap3A_545 = arith.constant 112 : index
    %swap3A_546 = tpu.vector_load %arg8[%swap3A_544, %swap3A_545] {strides = array<i32>} : memref<4x128xi32, #tpu.memory_space<vmem>>, vector<1x16xi32>,
    %swap3A_547 = vector.shape_cast %swap3A_546 : vector<1x16xi32> to vector<16xi32>
    %swap3A_548 = vector.shape_cast %add3A_542 : vector<16xi32> to vector<1x16xi32>
    tpu.vector_store %arg8[%swap3A_544, %swap3A_545], %swap3A_548 {strides = array<i32>} : memref<4x128xi32, #tpu.memory_space<vmem>>, vector<1x16xi32>,
    %dma_start3A_549 = arith.constant 3 : i32
    %dma_start3A_550 = arith.constant 384 : i32
    %dma_start3A_551 = arith.constant 0 : i32
    %dma_start3A_552 = tpu.memref_slice %arg9[%dma_start3A_550, %dma_start3A_551] : memref<512x128xf32, #tpu.memory_space<vmem>> -> memref<128x128xf32, #tpu.memory_space<vmem>>
    %dma_start3A_553 = arith.constant 0 : i32
    %dma_start3A_554 = tpu.memref_slice %arg8[%dma_start3A_549, %dma_start3A_553] : memref<4x128xi32, #tpu.memory_space<vmem>> -> memref<1x128xi32, #tpu.memory_space<vmem>>
    %dma_start3A_555 = tpu.memref_squeeze %dma_start3A_554 : memref<1x128xi32, #tpu.memory_space<vmem>> -> memref<128xi32, #tpu.memory_space<vmem>>
    %dma_start3A_556 = arith.constant 0 : i32
    %dma_start3A_557 = arith.constant 0 : i32
    %dma_start3A_558 = tpu.memref_slice %arg4[%dma_start3A_556, %dma_start3A_557] : memref<8192x128xf32, #tpu.memory_space<hbm>> -> memref<8192x128xf32, #tpu.memory_space<hbm>>
    tpu.enqueue_indirect_dma source(%dma_start3A_558 : memref<8192x128xf32, #tpu.memory_space<hbm>>) target(%dma_start3A_552 : memref<128x128xf32, #tpu.memory_space<vmem>>) offsets(%dma_start3A_555 : memref<128xi32, #tpu.memory_space<vmem>>) semaphore(%arg10 : memref<!tpu.dma_semaphore, #tpu.memory_space<semaphore_mem>>)
    %dma_wait3A_559 = arith.constant 0 : i32
    %dma_wait3A_560 = arith.constant 0 : i32
    %dma_wait3A_561 = arith.constant 0 : i32
    %dma_wait3A_562 = tpu.memref_slice %arg9[%dma_wait3A_560, %dma_wait3A_561] : memref<512x128xf32, #tpu.memory_space<vmem>> -> memref<128x128xf32, #tpu.memory_space<vmem>>
    %dma_wait3A_563 = arith.constant 0 : i32
    %dma_wait3A_564 = tpu.memref_slice %arg8[%dma_wait3A_559, %dma_wait3A_563] : memref<4x128xi32, #tpu.memory_space<vmem>> -> memref<1x128xi32, #tpu.memory_space<vmem>>
    %dma_wait3A_565 = tpu.memref_squeeze %dma_wait3A_564 : memref<1x128xi32, #tpu.memory_space<vmem>> -> memref<128xi32, #tpu.memory_space<vmem>>
    %dma_wait3A_566 = arith.constant 0 : i32
    %dma_wait3A_567 = arith.constant 0 : i32
    %dma_wait3A_568 = tpu.memref_slice %arg4[%dma_wait3A_566, %dma_wait3A_567] : memref<8192x128xf32, #tpu.memory_space<hbm>> -> memref<8192x128xf32, #tpu.memory_space<hbm>>
    tpu.wait_indirect_dma semaphore(%arg10 : memref<!tpu.dma_semaphore, #tpu.memory_space<semaphore_mem>>) src(%dma_wait3A_568 : memref<8192x128xf32, #tpu.memory_space<hbm>>) dst(%dma_wait3A_562 : memref<128x128xf32, #tpu.memory_space<vmem>>)
    %dma_wait3A_569 = arith.constant 1 : i32
    %dma_wait3A_570 = arith.constant 128 : i32
    %dma_wait3A_571 = arith.constant 0 : i32
    %dma_wait3A_572 = tpu.memref_slice %arg9[%dma_wait3A_570, %dma_wait3A_571] : memref<512x128xf32, #tpu.memory_space<vmem>> -> memref<128x128xf32, #tpu.memory_space<vmem>>
    %dma_wait3A_573 = arith.constant 0 : i32
    %dma_wait3A_574 = tpu.memref_slice %arg8[%dma_wait3A_569, %dma_wait3A_573] : memref<4x128xi32, #tpu.memory_space<vmem>> -> memref<1x128xi32, #tpu.memory_space<vmem>>
    %dma_wait3A_575 = tpu.memref_squeeze %dma_wait3A_574 : memref<1x128xi32, #tpu.memory_space<vmem>> -> memref<128xi32, #tpu.memory_space<vmem>>
    %dma_wait3A_576 = arith.constant 0 : i32
    %dma_wait3A_577 = arith.constant 0 : i32
    %dma_wait3A_578 = tpu.memref_slice %arg4[%dma_wait3A_576, %dma_wait3A_577] : memref<8192x128xf32, #tpu.memory_space<hbm>> -> memref<8192x128xf32, #tpu.memory_space<hbm>>
    tpu.wait_indirect_dma semaphore(%arg10 : memref<!tpu.dma_semaphore, #tpu.memory_space<semaphore_mem>>) src(%dma_wait3A_578 : memref<8192x128xf32, #tpu.memory_space<hbm>>) dst(%dma_wait3A_572 : memref<128x128xf32, #tpu.memory_space<vmem>>)
    %dma_wait3A_579 = arith.constant 2 : i32
    %dma_wait3A_580 = arith.constant 256 : i32
    %dma_wait3A_581 = arith.constant 0 : i32
    %dma_wait3A_582 = tpu.memref_slice %arg9[%dma_wait3A_580, %dma_wait3A_581] : memref<512x128xf32, #tpu.memory_space<vmem>> -> memref<128x128xf32, #tpu.memory_space<vmem>>
    %dma_wait3A_583 = arith.constant 0 : i32
    %dma_wait3A_584 = tpu.memref_slice %arg8[%dma_wait3A_579, %dma_wait3A_583] : memref<4x128xi32, #tpu.memory_space<vmem>> -> memref<1x128xi32, #tpu.memory_space<vmem>>
    %dma_wait3A_585 = tpu.memref_squeeze %dma_wait3A_584 : memref<1x128xi32, #tpu.memory_space<vmem>> -> memref<128xi32, #tpu.memory_space<vmem>>
    %dma_wait3A_586 = arith.constant 0 : i32
    %dma_wait3A_587 = arith.constant 0 : i32
    %dma_wait3A_588 = tpu.memref_slice %arg4[%dma_wait3A_586, %dma_wait3A_587] : memref<8192x128xf32, #tpu.memory_space<hbm>> -> memref<8192x128xf32, #tpu.memory_space<hbm>>
    tpu.wait_indirect_dma semaphore(%arg10 : memref<!tpu.dma_semaphore, #tpu.memory_space<semaphore_mem>>) src(%dma_wait3A_588 : memref<8192x128xf32, #tpu.memory_space<hbm>>) dst(%dma_wait3A_582 : memref<128x128xf32, #tpu.memory_space<vmem>>)
    %dma_wait3A_589 = arith.constant 3 : i32
    %dma_wait3A_590 = arith.constant 384 : i32
    %dma_wait3A_591 = arith.constant 0 : i32
    %dma_wait3A_592 = tpu.memref_slice %arg9[%dma_wait3A_590, %dma_wait3A_591] : memref<512x128xf32, #tpu.memory_space<vmem>> -> memref<128x128xf32, #tpu.memory_space<vmem>>
    %dma_wait3A_593 = arith.constant 0 : i32
    %dma_wait3A_594 = tpu.memref_slice %arg8[%dma_wait3A_589, %dma_wait3A_593] : memref<4x128xi32, #tpu.memory_space<vmem>> -> memref<1x128xi32, #tpu.memory_space<vmem>>
    %dma_wait3A_595 = tpu.memref_squeeze %dma_wait3A_594 : memref<1x128xi32, #tpu.memory_space<vmem>> -> memref<128xi32, #tpu.memory_space<vmem>>
    %dma_wait3A_596 = arith.constant 0 : i32
    %dma_wait3A_597 = arith.constant 0 : i32
    %dma_wait3A_598 = tpu.memref_slice %arg4[%dma_wait3A_596, %dma_wait3A_597] : memref<8192x128xf32, #tpu.memory_space<hbm>> -> memref<8192x128xf32, #tpu.memory_space<hbm>>
    tpu.wait_indirect_dma semaphore(%arg10 : memref<!tpu.dma_semaphore, #tpu.memory_space<semaphore_mem>>) src(%dma_wait3A_598 : memref<8192x128xf32, #tpu.memory_space<hbm>>) dst(%dma_wait3A_592 : memref<128x128xf32, #tpu.memory_space<vmem>>)
    "tpu.region"() ({
      %run_scoped3A = tpu.sem_alloc : memref<!tpu.dma_semaphore, #tpu.memory_space<semaphore_mem>>
      %dma_start3A_599 = arith.constant 0 : i32
      %dma_start3A_600 = tpu.memref_slice %arg5[%mul3A_2, %dma_start3A_599] : memref<16384x128xf32, #tpu.memory_space<hbm>> -> memref<512x128xf32, #tpu.memory_space<hbm>>
      %dma_start3A_601 = arith.constant 0 : i32
      %dma_start3A_602 = tpu.memref_slice %arg5[%mul3A_2, %dma_start3A_601] : memref<16384x128xf32, #tpu.memory_space<hbm>> -> memref<512x128xf32, #tpu.memory_space<hbm>>
      tpu.enqueue_dma source(%arg9 : memref<512x128xf32, #tpu.memory_space<vmem>>) target(%dma_start3A_602 : memref<512x128xf32, #tpu.memory_space<hbm>>) target_semaphore(%run_scoped3A : memref<!tpu.dma_semaphore, #tpu.memory_space<semaphore_mem>>)
      %dma_wait3A_603 = arith.constant 0 : i32
      %dma_wait3A_604 = tpu.memref_slice %arg5[%mul3A_2, %dma_wait3A_603] : memref<16384x128xf32, #tpu.memory_space<hbm>> -> memref<512x128xf32, #tpu.memory_space<hbm>>
      %dma_wait3A_605 = arith.constant 0 : i32
      %dma_wait3A_606 = tpu.memref_slice %arg5[%mul3A_2, %dma_wait3A_605] : memref<16384x128xf32, #tpu.memory_space<hbm>> -> memref<512x128xf32, #tpu.memory_space<hbm>>
      tpu.wait_dma2 semaphore(%run_scoped3A : memref<!tpu.dma_semaphore, #tpu.memory_space<semaphore_mem>>) src(%arg9 : memref<512x128xf32, #tpu.memory_space<vmem>>) dst(%dma_wait3A_606 : memref<512x128xf32, #tpu.memory_space<hbm>>)
      tpu.yield
    }) : () -> ()
    return
  }
}

</mosaic_0001>

<sc_bundles>
// kernel: kernel.3.cloned.1.call-start
scs
__scs_entry_jumppad:
0x0: {  	(pc) =	sbr.rel $0x88, $3  }
0x1: {  	(tag) =	ssettag $0x0;
	lr =	simm.s32 $0x1  }
0x2: {  	[smem:$0x3F9E] =	sst lr;
	_ =	strace $0xD0000000  }
0x3: {  	_ = 	snop  }
0x4: {  	_ = 	snop  }
0x5: {  	_ = 	snop  }
0x6: {  	_ = 	snop  }
0x7: {  	_ = 	snop  }
__scs_overlays_trampoline_lowered:
0x8: {  	[smem:$0x3FAD] =	sst s0  }
0x9: {  	[smem:$0x3FAE] =	sst s1  }
0xa: {  	[smem:$0x3FAF] =	sst s2  }
0xb: {  	[smem:$0x3FB0] =	sst s3  }
0xc: {  	[smem:$0x3FB1] =	sst s4  }
0xd: {  	[smem:$0x3FB2] =	sst s5  }
0xe: {  	[smem:$0x3FB3] =	sst s6  }
0xf: {  	[smem:$0x3FB4] =	sst s7  }
0x10: {  	[smem:$0x3FB5] =	sst s8  }
0x11: {  	[smem:$0x3FB6] =	sst s9;
	s0 =	simm.s32 @!p0 $0x0  }
0x12: {  	s1 =	sld [smem:$0x3F9C];
	s0 =	simm.s32 @p0 $0x1  }
0x13: {  	[smem:$0x3FB7] =	sst s0;
	s0 =	simm.s32 @!p1 $0x0  }
0x14: {  	s2 =	sld [smem:$0x3F9B];
	s0 =	simm.s32 @p1 $0x1  }
0x15: {  	[smem:$0x3FB8] =	sst s0;
	s0 =	simm.s32 @!p2 $0x0  }
0x16: {  	s3 =	sld [smem:$0x3FDB];
	s0 =	simm.s32 @p2 $0x1  }
0x17: {  	s4 =	simm.s32 $0x1BF5;
	[smem:$0x3FBA] =	sst s0  }
0x18: {  	s0 =	sld [smem:$0x3F9D];
	_ =	swait.ge [sflag:s4], $0x0  }
0x19: {  	s7 =	sld [smem:$0x3F9E]  }
0x1a: {  	s8 =	sadd.s32 $0xFFFFE003, lr  }
0x1b: {  	s9 =	sadd.s32 $0xFFFFFEF7, lr;
	s5 =	simm.s32 $0xFFFFFFFF;
	p2 =	slt.u32 s8, $0xFFFFF086  }
0x1c: {  	p1 =	slt.u32 s9, $0xF7A;
	s5 =	simm.s32 @!p2 $0x0  }
0x1d: {  	s5 =	simm.s32 @p1 $0x1;
	p0 =	seq.s32 s7, s2  }
0x1e: {  	s7 =	smul.u32 @!p0 $0xF7A, s2;
	p2 =	seq.s32 @!p0 s5, $0x0  }
0x1f: {  	s9 =	smul.u32 $0xF7A, s1;
	s8 =	simm.s32 @!p0 $0x1BF5;
	p2 =	por !p2, p0  }
0x20: {  	[sflag:s8] =	ssyncset.s32 @!p0 $0xFFFFF086;
	s6 =	sadd.s32 @!p0 s3, s7;
	s7 =	simm.s32 @!p0 $0x108  }
0x21: {  	s3 =	sadd.s32 s3, s9;
	s6 =	sadd.s32 @!p0 $0x88, s6;
	s7 =	simm.s32 @p2 $0x1082  }
0x22: {  	[simem:s7], [sflag:s8] =	dma.local @!p0 [hbm:s6], $0xF7A  }
0x23: {  	s9 =	sor.u32 $0xD0000000, s2;
	s6 =	simm.s32 $0x108;
	_ =	swait.ge @!p0 [sflag:s8], $0x0  }
0x24: {  	s3 =	sadd.s32 $0x88, s3;
	s6 =	simm.s32 @!p1 $0x1082;
	[sflag:s4] =	ssyncset.s32 $0xFFFFF086  }
0x25: {  	[simem:s6], [sflag:s4] =	dma.local [hbm:s3], $0xF7A  }
0x26: {  	[smem:$0x3F9E] =	sst s1;
	(tag) =	ssettag s2;
	_ =	strace s9  }
0x27: {  	s1 =	sld [smem:$0x3FAE]  }
0x28: {  	s2 =	sld [smem:$0x3FAF]  }
0x29: {  	s4 =	sld [smem:$0x3FB1]  }
0x2a: {  	p0 =	seq.s32 s5, $0x0;
	s5 =	sld [smem:$0x3FB2]  }
0x2b: {  	s6 =	sld [smem:$0x3FB3]  }
0x2c: {  	s7 =	sld [smem:$0x3FB4]  }
0x2d: {  	s3 =	simm.s32 $0x108;
	s8 =	sld [smem:$0x3FB5]  }
0x2e: {  	s3 =	simm.s32 @!p0 $0x1082;
	s9 =	sld [smem:$0x3FB6]  }
0x2f: {  	lr =	sadd.s32 s0, s3;
	s0 =	sld [smem:$0x3FAD]  }
0x30: {  	s3 =	sld [smem:$0x3FB0]  }
0x31: {  	[smem:$0x3FB9] =	sst s10  }
0x32: {  	s10 =	sld [smem:$0x3FB7];
	_ =	sdelay $0x3  }
0x33: {  	p0 =	seq.s32 s10, $0x1;
	s10 =	sld [smem:$0x3FB9];
	_ =	sdelay $0x3  }
0x34: {  	[smem:$0x3FB9] =	sst s10  }
0x35: {  	s10 =	sld [smem:$0x3FB8];
	_ =	sdelay $0x3  }
0x36: {  	p1 =	seq.s32 s10, $0x1;
	s10 =	sld [smem:$0x3FB9];
	_ =	sdelay $0x3  }
0x37: {  	[smem:$0x3FB9] =	sst s10  }
0x38: {  	s10 =	sld [smem:$0x3FBA]  }
0x39: {  	_ = 	snop;
	(pc) =	sbr.ind lr, $3  }
0x3a: {  	_ = 	snop  }
0x3b: {  	_ = 	snop  }
0x3c: {  	p2 =	seq.s32 s10, $0x1;
	s10 =	sld [smem:$0x3FB9]  }
0x3d: {  	_ =	shalt  }
0x3e: {  	_ =	shalt  }
0x3f: {  	_ =	shalt  }
0x40: {  	_ =	shalt  }
0x41: {  	_ =	shalt  }
0x42: {  	_ =	shalt  }
0x43: {  	_ =	shalt  }
0x44: {  	_ =	shalt  }
0x45: {  	_ =	shalt  }
0x46: {  	_ =	shalt  }
0x47: {  	_ =	shalt  }
0x48: {  	_ =	shalt  }
0x49: {  	_ =	shalt  }
0x4a: {  	_ =	shalt  }
0x4b: {  	_ =	shalt  }
0x4c: {  	_ =	shalt  }
0x4d: {  	_ =	shalt  }
0x4e: {  	_ =	shalt  }
0x4f: {  	_ =	shalt  }
0x50: {  	_ =	shalt  }
0x51: {  	_ =	shalt  }
0x52: {  	_ =	shalt  }
0x53: {  	_ =	shalt  }
0x54: {  	_ =	shalt  }
0x55: {  	_ =	shalt  }
0x56: {  	_ =	shalt  }
0x57: {  	_ =	shalt  }
0x58: {  	_ =	shalt  }
0x59: {  	_ =	shalt  }
0x5a: {  	_ =	shalt  }
0x5b: {  	_ =	shalt  }
0x5c: {  	_ =	shalt  }
0x5d: {  	_ =	shalt  }
0x5e: {  	_ =	shalt  }
0x5f: {  	_ =	shalt  }
0x60: {  	_ =	shalt  }
0x61: {  	_ =	shalt  }
0x62: {  	_ =	shalt  }
0x63: {  	_ =	shalt  }
0x64: {  	_ =	shalt  }
0x65: {  	_ =	shalt  }
0x66: {  	_ =	shalt  }
0x67: {  	_ =	shalt  }
0x68: {  	_ =	shalt  }
0x69: {  	_ =	shalt  }
0x6a: {  	_ =	shalt  }
0x6b: {  	_ =	shalt  }
0x6c: {  	_ =	shalt  }
0x6d: {  	_ =	shalt  }
0x6e: {  	_ =	shalt  }
0x6f: {  	_ =	shalt  }
0x70: {  	_ =	shalt  }
0x71: {  	_ =	shalt  }
0x72: {  	_ =	shalt  }
0x73: {  	_ =	shalt  }
0x74: {  	_ =	shalt  }
0x75: {  	_ =	shalt  }
0x76: {  	_ =	shalt  }
0x77: {  	_ =	shalt  }
0x78: {  	_ =	shalt  }
0x79: {  	_ =	shalt  }
0x7a: {  	_ =	shalt  }
0x7b: {  	_ =	shalt  }
0x7c: {  	_ =	shalt  }
0x7d: {  	_ =	shalt  }
0x7e: {  	_ =	shalt  }
0x7f: {  	_ =	shalt  }
0x80: {  	_ =	shalt  }
0x81: {  	_ =	shalt  }
0x82: {  	_ =	shalt  }
0x83: {  	_ =	shalt  }
0x84: {  	_ =	shalt  }
0x85: {  	_ =	shalt  }
0x86: {  	_ =	shalt  }
0x87: {  	_ =	shalt  }
.Lfunc_end0:
.L_simem_size_0:
called_computation_lowered:
.L_overlay_start_0:
0x88: {  	s2 =	sld [smem:$0x3FD9]  }
0x89: {  	s3 =	sld [smem:$0x3FFE];
	_ =	sdelay $0x1  }
0x8a: {  	s1 =	srdreg.scid  }
0x8b: {  	s0 =	sand.u32 $0x1, s1  }
0x8c: {  	s18 =	sshll.u32 s0, $0xA;
	s2 =	sadd.s32 s3, s2  }
0x8d: {  	s2 =	sadd.s32 s2, s18  }
0x8e: {  	[smem:$0x3FC5] =	sst s2  }
0x8f: {  	_ = 	snop  }
0x90: {  	s2 =	sld [smem:$0x3FC9]  }
0x91: {  	s19 =	sld [smem:$0x3FC8]  }
0x92: {  	s4 =	sld [smem:$0x3FC7]  }
0x93: {  	s5 =	sld [smem:$0x3FD0];
	(tm) =	ssettm $0x1  }
0x94: {  	s6 =	sld [smem:$0x3FFB];
	_ =	sdelay $0x3  }
0x95: {  	_ =	strace s6  }
0x96: {  	s6 =	sld [smem:$0x3FFC];
	_ =	sdelay $0x3  }
0x97: {  	_ =	strace s6  }
0x98: {  	s6 =	sld [smem:$0x3FFD];
	_ =	sdelay $0x3  }
0x99: {  	_ =	strace s6  }
0x9a: {  	_ =	strace $0x8FFFFFFF  }
0x9b: {  	s20 =	sld [smem:$0x3FDB];
	_ =	sdelay $0x1  }
0x9c: {  	s7 =	simm.s32 $_scs_section_size  }
0x9d: {  	s8 =	simm.s32 $_size__tile_overlayer_lowered;
	s9 =	simm.s32 $_tile_overlayer_lowered  }
0x9e: {  	s23 =	simm.s32 $0x1BFF;
	s22 =	sshll.u32 s9, $0x1;
	s6 =	sadd.s32 s7, s20  }
0x9f: {  	s10 =	simm.s32 $0x0;
	s21 =	sshll.u32 s8, $0x1;
	s8 =	sadd.s32 s22, s6  }
0xa0: {  	[timem:s10], [sflag:s23] =	dma.local [hbm:s8], s21  }
0xa1: {  	_ =	swait.ge [sflag:s23], s21  }
0xa2: {  	s7 =	ssub.s32 $0x0, s21;
	[sflag:s23] =	ssyncset.done $0x0  }
0xa3: {  	[sflag:s23] =	ssyncadd.s32 s7;
	_ =	sdelay $0x1  }
0xa4: {  	s24 =	simm.s32 $0x1B8B  }
0xa5: {  	_ =	swait.ge [sflag:s24], $0x1  }
0xa6: {  	[sflag:s24] =	ssyncset.done $0x0  }
0xa7: {  	s25 =	simm.s32 $0x1B8E;
	[sflag:s24] =	ssyncadd.s32 $0xFFFFFFFF  }
0xa8: {  	s26 =	simm.s32 $execute0_lowered;
	[smem:$0x3FD2] =	sst s25  }
0xa9: {  	s7 =	sshll.u32 s26, $0x1;
	_ =	strace $0x80000046;
	[dreg:$0x1] =	wrdreg $0xFFFFFFFF  }
0xaa: {  	s28 =	simm.s32 $_size_execute0_lowered;
	s6 =	sadd.s32 s6, s7;
	[dreg:$0x0] =	wrdreg $0x0  }
0xab: {  	s7 =	sshll.u32 s28, $0x1;
	[dreg:$0x2] =	wrdreg s6  }
0xac: {  	[dreg:$0x3] =	wrdreg s7  }
0xad: {  	[dreg:$0x4] =	wrdreg $0xC0  }
0xae: {  	_ =	task [dreg:s10], $0x5FFFF  }
0xaf: {  	[dreg:$0x1] =	wrdreg $0xFFFFFFFF  }
0xb0: {  	[dreg:$0x0] =	wrdreg $0x60  }
0xb1: {  	[dreg:$0x2] =	wrdreg s2  }
0xb2: {  	[dreg:$0x3] =	wrdreg s19  }
0xb3: {  	[dreg:$0x4] =	wrdreg s4  }
0xb4: {  	[dreg:$0x5] =	wrdreg s5  }
0xb5: {  	[dreg:$0x6] =	wrdreg $0x9  }
0xb6: {  	_ =	task.clear_ibuf [dreg:s10], $0x7FFFF;
	_ =	strace $0x90000046  }
0xb7: {  	s29 =	simm.s32 $0x9;
	_ =	strace $0x80000048  }
0xb8: {  	_ =	swait.ge [sflag:s29], $0x1  }
0xb9: {  	[sflag:s29] =	ssyncadd.s32 $0xFFFFFFFF  }
0xba: {  	_ =	strace $0x90000048  }
0xbb: {  	_ =	sfence  }
0xbc: {  	s30 =	sld [smem:$0x0];
	_ =	sdelay $0x2  }
0xbd: {  	s31 =	sshll.u32 s1, $0xD;
	s1 =	sshrl.u32 s1, $0x2  }
0xbe: {  	s3 =	sand.u32 $0x4000, s31;
	s1 =	sadd.s32 s1, s30  }
0xbf: {  	s0 =	sor.u32 s3, s0;
	s1 =	sshll.u32 s1, $0x11  }
0xc0: {  	s0 =	sor.u32 s1, s0  }
0xc1: {  	s0 =	sadd.s32 $0x8F2B, s0  }
0xc2: {  	[sflag:s0] =	ssyncadd.remote.s32 $0x1  }
0xc3: {  	_ =	sfence.sel $0xFFFF  }
0xc4: {  	[dreg:$0x0] =	wrdreg $0xFFFFFFFF;
	(pc) =	sbr.abs _section_cstart, $3  }
0xc5: {  	[dreg:$0x1] =	wrdreg $0xFFFFFFFF  }
0xc6: {  	_ =	task.clear_ibuf [dreg:s10], $0x2FFFF;
	_ =	strace $0x9FFFFFFF  }
0xc7: {  	(tm) =	ssettm $0x7FFFFFFF  }
tec
execute0_lowered:
.L_overlay_start_1:
0x0: {  	(tag) =	ssettag $0x1  }
0x1: {  	s4 =	rddreg [dreg:$0x0]  }
0x2: {  	s5 =	rddreg [dreg:$0x1]  }
0x3: {  	s1 =	rddreg [dreg:$0x2]  }
0x4: {  	s6 =	rddreg [dreg:$0x3]  }
0x5: {  	s0 =	rddreg [dreg:$0x4];
	s7 =	srdreg.scid  }
0x6: {  	s3 =	simm.s32 $0x0;
	s2 =	stileid.u32;
	s11 =	simm.s32 $0x400  }
0x7: {  	s12 =	simm.s32 $0x600;
	s13 =	simm.s32 $0x480;
	s14 =	simm.s32 $0x4600  }
0x8: {  	s15 =	simm.s32 $0x500;
	s16 =	simm.s32 $0x8600;
	s17 =	simm.s32 $0x580  }
0x9: {  	s18 =	simm.s32 $0xC600;
	s19 =	simm.s32 $0x1;
	s7 =	sand.u32 $0x1, s7  }
0xa: {  	s20 =	simm.s32 $0x3;
	s9 =	sshll.u32 s2, $0xA;
	s8 =	ssub.s32 $0x2, s7  }
0xb: {  	[smem:$0x7FF] =	sst s3;
	s7 =	sshll.u32 s7, $0x9;
	s10 =	sshrl.u32 s8, $0x1  }
0xc: {  	_ =	strace $0x80000047;
	s7 =	sor.u32 s7, s9;
	s8 =	ssub.s32 s8, s10  }
0xd: {  	s9 =	sshrl.u32 s7, $0x3;
	s7 =	sshll.u32 s7, $0x4;
	s10 =	simm.s32 $0x80  }
0xe: {  	s4 =	sadd.s32 s4, s9;
	s5 =	sadd.s32 s5, s9;
	s6 =	sadd.s32 s6, s7  }
0xf: {  	s7 =	smax.u32 s8, $0x1;
	s8 =	simm.s32 $0x200;
	s9 =	simm.s32 $0x2  }
.LBB2_1:
0x10: {  	[tilespmem:s3], [sflag:$0x2] =	stream.linear.gather [hbm4b:s4+s3], $0x200, $0x38;
	[tilespmem:$0x10600] =	vst v63  }
0x11: {  	_ = 	snop  }
0x12: {  	[tilespmem:s8], [sflag:$0x2] =	stream.linear.gather [hbm4b:s5+s3], $0x200, $0x38;
	[tilespmem:$0x10600] =	vst v63  }
0x13: {  	_ =	swait.ge [sflag:s9], $0x200  }
0x14: {  	[sflag:s9] =	ssyncset.done $0x0  }
0x15: {  	[sflag:s9] =	ssyncadd.s32 $0xFFFFFE00  }
0x16: {  	_ =	swait.ge [sflag:s9], $0x200  }
0x17: {  	[sflag:s9] =	ssyncset.done $0x0  }
0x18: {  	[sflag:s9] =	ssyncadd.s32 $0xFFFFFE00  }
0x19: {  	v0 =	vld [tilespmem:$0x0]  }
0x1a: {  	v1 =	vld [tilespmem:$0x200]  }
0x1b: {  	v2 =	vld [tilespmem:$0x10]  }
0x1c: {  	v3 =	vld [tilespmem:$0x210]  }
0x1d: {  	v4 =	vld [tilespmem:$0x20]  }
0x1e: {  	v5 =	vld [tilespmem:$0x220]  }
0x1f: {  	v6 =	vld [tilespmem:$0x30]  }
0x20: {  	v7 =	vld [tilespmem:$0x230]  }
0x21: {  	v8 =	vld [tilespmem:$0x40]  }
0x22: {  	v9 =	vld [tilespmem:$0x240]  }
0x23: {  	v10 =	vld [tilespmem:$0x50]  }
0x24: {  	v11 =	vld [tilespmem:$0x250]  }
0x25: {  	v12 =	vld [tilespmem:$0x60];
	v0 =	vshll.u32 v0, $0xA  }
0x26: {  	v57 =	vld [tilespmem:$0x260];
	v56 =	vshll.u32 v2, $0xA;
	v0 =	vadd.s32 v1, v0  }
0x27: {  	v60 =	vld [tilespmem:$0x70];
	v59 =	vshll.u32 v4, $0xA;
	v58 =	vadd.s32 v3, v56;
	[tilespmem:$0x400] =	vst v0  }
0x28: {  	v63 =	vld [tilespmem:$0x270];
	v62 =	vshll.u32 v6, $0xA;
	v61 =	vadd.s32 v5, v59;
	[tilespmem:$0x410] =	vst v58  }
0x29: {  	v14 =	vshll.u32 v8, $0xA;
	v13 =	vadd.s32 v7, v62;
	[tilespmem:$0x420] =	vst v61  }
0x2a: {  	v16 =	vshll.u32 v10, $0xA;
	v15 =	vadd.s32 v9, v14;
	[tilespmem:$0x430] =	vst v13  }
0x2b: {  	v18 =	vshll.u32 v12, $0xA;
	v17 =	vadd.s32 v11, v16;
	[tilespmem:$0x440] =	vst v15  }
0x2c: {  	v20 =	vshll.u32 v60, $0xA;
	v19 =	vadd.s32 v57, v18;
	[tilespmem:$0x450] =	vst v17  }
0x2d: {  	v21 =	vadd.s32 v63, v20;
	[tilespmem:$0x460] =	vst v19  }
0x2e: {  	[tilespmem:$0x470] =	vst v21  }
0x2f: {  	[tilespmem:s12], [sflag:$0x1] =	stream.indirect.gather [hbm4b:s1+s10], $0x80, s11, s10, $0xb8;
	[tilespmem:$0x10600] =	vst v63  }
0x30: {  	v22 =	vld [tilespmem:$0x80]  }
0x31: {  	v23 =	vld [tilespmem:$0x280]  }
0x32: {  	v24 =	vld [tilespmem:$0x90]  }
0x33: {  	v25 =	vld [tilespmem:$0x290]  }
0x34: {  	v26 =	vld [tilespmem:$0xA0]  }
0x35: {  	v27 =	vld [tilespmem:$0x2A0]  }
0x36: {  	v28 =	vld [tilespmem:$0xB0]  }
0x37: {  	v29 =	vld [tilespmem:$0x2B0]  }
0x38: {  	v30 =	vld [tilespmem:$0xC0]  }
0x39: {  	v31 =	vld [tilespmem:$0x2C0]  }
0x3a: {  	v32 =	vld [tilespmem:$0xD0]  }
0x3b: {  	v33 =	vld [tilespmem:$0x2D0]  }
0x3c: {  	v34 =	vld [tilespmem:$0xE0];
	v0 =	vshll.u32 v22, $0xA  }
0x3d: {  	v36 =	vld [tilespmem:$0x2E0];
	v35 =	vshll.u32 v24, $0xA;
	v0 =	vadd.s32 v23, v0  }
0x3e: {  	v39 =	vld [tilespmem:$0xF0];
	v38 =	vshll.u32 v26, $0xA;
	v37 =	vadd.s32 v25, v35;
	[tilespmem:$0x480] =	vst v0  }
0x3f: {  	v42 =	vld [tilespmem:$0x2F0];
	v41 =	vshll.u32 v28, $0xA;
	v40 =	vadd.s32 v27, v38;
	[tilespmem:$0x490] =	vst v37  }
0x40: {  	v44 =	vshll.u32 v30, $0xA;
	v43 =	vadd.s32 v29, v41;
	[tilespmem:$0x4A0] =	vst v40  }
0x41: {  	v46 =	vshll.u32 v32, $0xA;
	v45 =	vadd.s32 v31, v44;
	[tilespmem:$0x4B0] =	vst v43  }
0x42: {  	v48 =	vshll.u32 v34, $0xA;
	v47 =	vadd.s32 v33, v46;
	[tilespmem:$0x4C0] =	vst v45  }
0x43: {  	v50 =	vshll.u32 v39, $0xA;
	v49 =	vadd.s32 v36, v48;
	[tilespmem:$0x4D0] =	vst v47  }
0x44: {  	v51 =	vadd.s32 v42, v50;
	[tilespmem:$0x4E0] =	vst v49  }
0x45: {  	[tilespmem:$0x4F0] =	vst v51  }
0x46: {  	[tilespmem:s14], [sflag:$0x1] =	stream.indirect.gather [hbm4b:s1+s10], $0x80, s13, s10, $0xb8;
	[tilespmem:$0x10600] =	vst v63  }
0x47: {  	v52 =	vld [tilespmem:$0x100]  }
0x48: {  	v53 =	vld [tilespmem:$0x300]  }
0x49: {  	v54 =	vld [tilespmem:$0x110]  }
0x4a: {  	v55 =	vld [tilespmem:$0x310]  }
0x4b: {  	v56 =	vld [tilespmem:$0x120]  }
0x4c: {  	v57 =	vld [tilespmem:$0x320]  }
0x4d: {  	v58 =	vld [tilespmem:$0x130]  }
0x4e: {  	v59 =	vld [tilespmem:$0x330]  }
0x4f: {  	v60 =	vld [tilespmem:$0x140]  }
0x50: {  	v61 =	vld [tilespmem:$0x340]  }
0x51: {  	v62 =	vld [tilespmem:$0x150]  }
0x52: {  	v63 =	vld [tilespmem:$0x350]  }
0x53: {  	v16 =	vld [tilespmem:$0x160];
	v0 =	vshll.u32 v52, $0xA  }
0x54: {  	v18 =	vld [tilespmem:$0x360];
	v17 =	vshll.u32 v54, $0xA;
	v0 =	vadd.s32 v53, v0  }
0x55: {  	v21 =	vld [tilespmem:$0x170];
	v20 =	vshll.u32 v56, $0xA;
	v19 =	vadd.s32 v55, v17;
	[tilespmem:$0x500] =	vst v0  }
0x56: {  	v24 =	vld [tilespmem:$0x370];
	v23 =	vshll.u32 v58, $0xA;
	v22 =	vadd.s32 v57, v20;
	[tilespmem:$0x510] =	vst v19  }
0x57: {  	v26 =	vshll.u32 v60, $0xA;
	v25 =	vadd.s32 v59, v23;
	[tilespmem:$0x520] =	vst v22  }
0x58: {  	v28 =	vshll.u32 v62, $0xA;
	v27 =	vadd.s32 v61, v26;
	[tilespmem:$0x530] =	vst v25  }
0x59: {  	v30 =	vshll.u32 v16, $0xA;
	v29 =	vadd.s32 v63, v28;
	[tilespmem:$0x540] =	vst v27  }
0x5a: {  	v32 =	vshll.u32 v21, $0xA;
	v31 =	vadd.s32 v18, v30;
	[tilespmem:$0x550] =	vst v29  }
0x5b: {  	v33 =	vadd.s32 v24, v32;
	[tilespmem:$0x560] =	vst v31  }
0x5c: {  	[tilespmem:$0x570] =	vst v33  }
0x5d: {  	[tilespmem:s16], [sflag:$0x1] =	stream.indirect.gather [hbm4b:s1+s10], $0x80, s15, s10, $0xb8;
	[tilespmem:$0x10600] =	vst v63  }
0x5e: {  	v34 =	vld [tilespmem:$0x180]  }
0x5f: {  	v35 =	vld [tilespmem:$0x380]  }
0x60: {  	v36 =	vld [tilespmem:$0x190]  }
0x61: {  	v37 =	vld [tilespmem:$0x390]  }
0x62: {  	v38 =	vld [tilespmem:$0x1A0]  }
0x63: {  	v39 =	vld [tilespmem:$0x3A0]  }
0x64: {  	v40 =	vld [tilespmem:$0x1B0]  }
0x65: {  	v41 =	vld [tilespmem:$0x3B0]  }
0x66: {  	v42 =	vld [tilespmem:$0x1C0]  }
0x67: {  	v43 =	vld [tilespmem:$0x3C0]  }
0x68: {  	v44 =	vld [tilespmem:$0x1D0]  }
0x69: {  	v45 =	vld [tilespmem:$0x3D0]  }
0x6a: {  	v46 =	vld [tilespmem:$0x1E0];
	v0 =	vshll.u32 v34, $0xA  }
0x6b: {  	v48 =	vld [tilespmem:$0x3E0];
	v47 =	vshll.u32 v36, $0xA;
	v0 =	vadd.s32 v35, v0  }
0x6c: {  	v51 =	vld [tilespmem:$0x1F0];
	v50 =	vshll.u32 v38, $0xA;
	v49 =	vadd.s32 v37, v47;
	[tilespmem:$0x580] =	vst v0  }
0x6d: {  	v54 =	vld [tilespmem:$0x3F0];
	v53 =	vshll.u32 v40, $0xA;
	v52 =	vadd.s32 v39, v50;
	[tilespmem:$0x590] =	vst v49  }
0x6e: {  	v56 =	vshll.u32 v42, $0xA;
	v55 =	vadd.s32 v41, v53;
	[tilespmem:$0x5A0] =	vst v52  }
0x6f: {  	v58 =	vshll.u32 v44, $0xA;
	v57 =	vadd.s32 v43, v56;
	[tilespmem:$0x5B0] =	vst v55  }
0x70: {  	v60 =	vshll.u32 v46, $0xA;
	v59 =	vadd.s32 v45, v58;
	[tilespmem:$0x5C0] =	vst v57  }
0x71: {  	v62 =	vshll.u32 v51, $0xA;
	v61 =	vadd.s32 v48, v60;
	[tilespmem:$0x5D0] =	vst v59  }
0x72: {  	v63 =	vadd.s32 v54, v62;
	[tilespmem:$0x5E0] =	vst v61  }
0x73: {  	[tilespmem:$0x5F0] =	vst v63  }
0x74: {  	[tilespmem:s18], [sflag:$0x1] =	stream.indirect.gather [hbm4b:s1+s10], $0x80, s17, s10, $0xb8;
	[tilespmem:$0x10600] =	vst v63  }
0x75: {  	_ =	swait.ge [sflag:s19], $0x4000  }
0x76: {  	[sflag:s19] =	ssyncset.done $0x0  }
0x77: {  	[sflag:s19] =	ssyncadd.s32 $0xFFFFC000  }
0x78: {  	_ =	swait.ge [sflag:s19], $0x4000  }
0x79: {  	[sflag:s19] =	ssyncset.done $0x0  }
0x7a: {  	[sflag:s19] =	ssyncadd.s32 $0xFFFFC000  }
0x7b: {  	_ =	swait.ge [sflag:s19], $0x4000  }
0x7c: {  	[sflag:s19] =	ssyncset.done $0x0  }
0x7d: {  	[sflag:s19] =	ssyncadd.s32 $0xFFFFC000  }
0x7e: {  	_ =	swait.ge [sflag:s19], $0x4000  }
0x7f: {  	p0 =	sne.s32 s7, $0x1;
	[sflag:s19] =	ssyncset.done $0x0  }
.Ltmp0:
0x80: {  	[sflag:s19] =	ssyncadd.s32 $0xFFFFC000;
	(pc) =	sbr.rel @p0 .LBB2_1-.Ltmp0, $4  }
0x81: {  	[hbm4b:s6+s3] =	stream.linear.scatter [tilespmem:s12], [sflag:$0x3], $0x10000, $0x38;
	[tilespmem:$0x10600] =	vst v63  }
0x82: {  	_ =	swait.ge [sflag:s20], $0x10000  }
0x83: {  	[sflag:s20] =	ssyncset.done $0x0  }
0x84: {  	s7 =	sadd.s32 $0xFFFFFFFF, s7;
	[sflag:s20] =	ssyncadd.s32 $0xFFFF0000  }
0x85: {  	_ =	sfence.sel $0x180000  }
0x86: {  	[bflag:$0x0] =	sbarrier.arrive $0xFFFF  }
0x87: {  	p0 =	sne.s32 s2, $0x0;
	_ =	strace $0x90000047  }
0x88: {  	s0 =	sadd.s32 @!p0 $0x100000, s0;
	[bflag:$0x2] =	sbarrier.arrive $0xFFFF  }
0x89: {  	[sflag:s0] =	ssyncadd.tile.s32 @!p0 $0x1;
	_ =	shalt  }
.Lfunc_end2:
_tile_overlayer_lowered:
.L_overlay_start_2:
0x8a: {  	(tag) =	ssettag $0x2  }
0x8b: {  	s0 =	rddreg [dreg:$0x0];
	s2 =	stileid.u32  }
0x8c: {  	s1 =	rddreg [dreg:$0x1];
	p0 =	sne.s32 s2, $0x0  }
0x8d: {  	s3 =	rddreg [dreg:$0x2];
	[bflag:$0x3] =	sbarrier.arrive $0xFFFF;
	s2 =	simm.s32 @!p0 $0x1C03  }
0x8e: {  	[timem:s3], [sflag:s2] =	dma.local @!p0 [hbm:s0], s1  }
0x8f: {  	s0 =	simm.s32 @!p0 $0x3  }
0x90: {  	_ =	swait.ge @!p0 [sflag:s0], s1  }
0x91: {  	s1 =	ssub.s32 @!p0 $0x0, s1;
	[sflag:s0] =	ssyncset.done @!p0 $0x0  }
0x92: {  	[sflag:s0] =	ssyncadd.s32 @!p0 s1  }
0x93: {  	[bflag:$0x3] =	sbarrier.arrive $0xFFFF  }
0x94: {  	_ =	shalt  }

</sc_bundles>
